<compile_context>
chip_gen: v7x
topology: tpu7x:2x2x1
jax: 0.10.2.dev20260603
libtpu: 0.0.44.dev20260713+nightly
codegen_flags: <defaults>
</compile_context>

<pallas_src>
import functools

import jax
import jax.numpy as jnp
from jax import lax
from jax.experimental import pallas as pl
from jax.experimental.pallas import tpu as pltpu
from jax.experimental.pallas import tpu_sc as plsc

VOCAB = 1000000
EMBED_DIM = 64
BATCH = 16384
HIST = 50

_INFO = plsc.get_sparse_core_info()
_NC = _INFO.num_cores
_NS = _INFO.num_subcores
_NW = _NC * _NS

_BPW = BATCH // _NW
_CSZ = 128
_SPH = _BPW // _CSZ
_HSPLIT = 50
_CH = _HSPLIT * _SPH
_NBUF = 8


def _make_gather():
    mesh = plsc.VectorSubcoreMesh(core_axis_name="c", subcore_axis_name="s")

    @functools.partial(
        pl.kernel,
        mesh=mesh,
        compiler_params=pltpu.CompilerParams(use_tc_tiling_on_sc=False),
        out_type=jax.ShapeDtypeStruct((_HSPLIT, BATCH, EMBED_DIM), jnp.float32),
        scratch_types=[
            pltpu.VMEM((_HSPLIT, _BPW), jnp.int32),
            [pltpu.VMEM((_CSZ, EMBED_DIM), jnp.float32)] * _NBUF,
            [pltpu.SemaphoreType.DMA] * _NBUF,
            [pltpu.SemaphoreType.DMA] * _NBUF,
        ],
    )
    def gather_kernel(idx_hbm, table_hbm, out_hbm, idx_v, bufs, gsems, wsems):
        wid = lax.axis_index("s") * _NC + lax.axis_index("c")
        base = wid * _BPW
        pltpu.sync_copy(idx_hbm.at[:, pl.ds(base, _BPW)], idx_v)

        def idx_at(c):
            h = c // _SPH
            s = c % _SPH
            return idx_v.at[h, pl.ds(s * _CSZ, _CSZ)]

        def out_at(c):
            h = c // _SPH
            s = c % _SPH
            return out_hbm.at[h, pl.ds(base + s * _CSZ, _CSZ)]

        def start_gather(c, b):
            pltpu.async_copy(table_hbm.at[idx_at(c)], bufs[b], gsems[b])

        def finish_gather(c, b):
            pltpu.make_async_copy(table_hbm.at[idx_at(c)], bufs[b], gsems[b]).wait()

        def start_write(c, b):
            pltpu.async_copy(bufs[b], out_at(c), wsems[b])

        def finish_write(c, b):
            pltpu.make_async_copy(bufs[b], out_at(c), wsems[b]).wait()

        def body(g, carry):
            for b in range(_NBUF):
                c = g * _NBUF + b
                @pl.when(g > 0)
                def _(b=b, c=c):
                    finish_write(c - _NBUF, b)

                start_gather(c, b)

                kb = (b + 1) % _NBUF
                if b == _NBUF - 1:
                    finish_gather(c - _NBUF + 1, kb)
                    start_write(c - _NBUF + 1, kb)
                else:
                    @pl.when(g > 0)
                    def _(b=b, c=c, kb=kb):
                        finish_gather(c - _NBUF + 1, kb)
                        start_write(c - _NBUF + 1, kb)
            return carry

        lax.fori_loop(0, _CH // _NBUF, body, 0, unroll=False)

        for i in range(1, _NBUF):
            k = _CH - _NBUF + i
            finish_gather(k, i)
            start_write(k, i)
        for b in range(_NBUF):
            finish_write(_CH - _NBUF + b, b)

    return gather_kernel


_gather = _make_gather()


def kernel(X, table):
    tab2 = jnp.pad(table, ((0, 0), (0, EMBED_DIM))).reshape(2 * VOCAB, EMBED_DIM)
    xt = X.T.astype(jnp.int32) * 2
    out_t = _gather(xt, tab2)
    return jnp.transpose(out_t, (1, 0, 2))

# --- scband reference (transcript-rebuilt; emitter-appended) ---
"""Pipeline reference for scband-embedding-class-90666759618912 (READ-ONLY COPY).

The authoritative reference and input builder live on the scoring server;
editing this copy changes nothing except your own understanding.
"""

import jax, jax.numpy as jnp
import numpy as np

VOCAB = 1000000
EMBED_DIM = 64
BATCH = 16384
HIST = 50

def setup_inputs(seed: int = 0) -> dict:
    key = jax.random.key(seed)
    k_idx, k_tab = jax.random.split(key)
    X = jax.random.randint(k_idx, (BATCH, HIST), 0, VOCAB, dtype=jnp.int64)
    table = jax.random.normal(k_tab, (VOCAB, EMBED_DIM), dtype=jnp.float32)
    return {"X": X, "table": table}

def reference(X, table):
    # nn.Embedding forward: row gather from the embedding table
    out = jnp.take(table, X, axis=0)
    return out

if __name__ == "__main__":
    import jax
    _d = setup_inputs()
    print(jax.jit(kernel)(*tuple(_d.values())))

</pallas_src>

<mosaic_0001>
#map = affine_map<(d0, d1) -> (0, 0)>
#map1 = affine_map<(d0, d1) -> (0, 0, 0)>
module attributes {stable_mosaic.version = 14 : i64} {
  func.func @gather_kernel(%arg0: i32, %arg1: i32, %arg2: memref<50x16384xi32, #tpu.memory_space<hbm>>, %arg3: memref<2000000x64xf32, #tpu.memory_space<hbm>>, %arg4: memref<50x16384x64xf32, #tpu.memory_space<hbm>>, %arg5: memref<50x512xi32, #tpu.memory_space<vmem>>, %arg6: memref<128x64xf32, #tpu.memory_space<vmem>>, %arg7: memref<128x64xf32, #tpu.memory_space<vmem>>, %arg8: memref<128x64xf32, #tpu.memory_space<vmem>>, %arg9: memref<128x64xf32, #tpu.memory_space<vmem>>, %arg10: memref<128x64xf32, #tpu.memory_space<vmem>>, %arg11: memref<128x64xf32, #tpu.memory_space<vmem>>, %arg12: memref<128x64xf32, #tpu.memory_space<vmem>>, %arg13: memref<128x64xf32, #tpu.memory_space<vmem>>, %arg14: memref<!tpu.dma_semaphore, #tpu.memory_space<semaphore_mem>>, %arg15: memref<!tpu.dma_semaphore, #tpu.memory_space<semaphore_mem>>, %arg16: memref<!tpu.dma_semaphore, #tpu.memory_space<semaphore_mem>>, %arg17: memref<!tpu.dma_semaphore, #tpu.memory_space<semaphore_mem>>, %arg18: memref<!tpu.dma_semaphore, #tpu.memory_space<semaphore_mem>>, %arg19: memref<!tpu.dma_semaphore, #tpu.memory_space<semaphore_mem>>, %arg20: memref<!tpu.dma_semaphore, #tpu.memory_space<semaphore_mem>>, %arg21: memref<!tpu.dma_semaphore, #tpu.memory_space<semaphore_mem>>, %arg22: memref<!tpu.dma_semaphore, #tpu.memory_space<semaphore_mem>>, %arg23: memref<!tpu.dma_semaphore, #tpu.memory_space<semaphore_mem>>, %arg24: memref<!tpu.dma_semaphore, #tpu.memory_space<semaphore_mem>>, %arg25: memref<!tpu.dma_semaphore, #tpu.memory_space<semaphore_mem>>, %arg26: memref<!tpu.dma_semaphore, #tpu.memory_space<semaphore_mem>>, %arg27: memref<!tpu.dma_semaphore, #tpu.memory_space<semaphore_mem>>, %arg28: memref<!tpu.dma_semaphore, #tpu.memory_space<semaphore_mem>>, %arg29: memref<!tpu.dma_semaphore, #tpu.memory_space<semaphore_mem>>) attributes {dimension_semantics = [#tpu.dimension_semantics<core_parallel>, #tpu.dimension_semantics<subcore_parallel>], iteration_bounds = array<i64: 2, 16>, scalar_prefetch = 0 : i64, scratch_operands = 25 : i64, tpu.core_type = #tpu.core_type<sc_vector_subcore>, window_params = [{transform_indices = #map}, {transform_indices = #map}, {transform_indices = #map1}]} {
    %mul3A = arith.constant 2 : i32
    %mul3A_0 = arith.muli %arg1, %mul3A : i32
    %add3A = arith.addi %mul3A_0, %arg0 : i32
    %mul3A_1 = arith.constant 512 : i32
    %mul3A_2 = arith.muli %add3A, %mul3A_1 : i32
    "tpu.region"() ({
      %run_scoped3A = tpu.sem_alloc : memref<!tpu.dma_semaphore, #tpu.memory_space<semaphore_mem>>
      %dma_start3A_190 = arith.constant 0 : i32
      %dma_start3A_191 = tpu.memref_slice %arg2[%dma_start3A_190, %mul3A_2] : memref<50x16384xi32, #tpu.memory_space<hbm>> -> memref<50x512xi32, #tpu.memory_space<hbm>>
      %dma_start3A_192 = arith.constant 0 : i32
      %dma_start3A_193 = tpu.memref_slice %arg2[%dma_start3A_192, %mul3A_2] : memref<50x16384xi32, #tpu.memory_space<hbm>> -> memref<50x512xi32, #tpu.memory_space<hbm>>
      tpu.enqueue_dma source(%dma_start3A_193 : memref<50x512xi32, #tpu.memory_space<hbm>>) target(%arg5 : memref<50x512xi32, #tpu.memory_space<vmem>>) target_semaphore(%run_scoped3A : memref<!tpu.dma_semaphore, #tpu.memory_space<semaphore_mem>>)
      %dma_wait3A_194 = arith.constant 0 : i32
      %dma_wait3A_195 = tpu.memref_slice %arg2[%dma_wait3A_194, %mul3A_2] : memref<50x16384xi32, #tpu.memory_space<hbm>> -> memref<50x512xi32, #tpu.memory_space<hbm>>
      %dma_wait3A_196 = arith.constant 0 : i32
      %dma_wait3A_197 = tpu.memref_slice %arg2[%dma_wait3A_196, %mul3A_2] : memref<50x16384xi32, #tpu.memory_space<hbm>> -> memref<50x512xi32, #tpu.memory_space<hbm>>
      tpu.wait_dma2 semaphore(%run_scoped3A : memref<!tpu.dma_semaphore, #tpu.memory_space<semaphore_mem>>) src(%dma_wait3A_197 : memref<50x512xi32, #tpu.memory_space<hbm>>) dst(%arg5 : memref<50x512xi32, #tpu.memory_space<vmem>>)
      tpu.yield
    }) : () -> ()
    %scan3A = arith.constant 0 : i32
    %scan3A_3 = arith.constant 0 : i32
    %scan3A_4 = arith.constant 25 : i32
    %scan3A_5 = arith.addi %scan3A_3, %scan3A_4 : i32
    %scan3A_6 = arith.constant 1 : i32
    scf.for %scan3A_190 = %scan3A_3 to %scan3A_5 step %scan3A_6  : i32 {
      %mul3A_191 = arith.constant 8 : i32
      %mul3A_192 = arith.muli %scan3A_190, %mul3A_191 : i32
      %add3A_193 = arith.constant 0 : i32
      %add3A_194 = arith.addi %mul3A_192, %add3A_193 : i32
      %gt3A = arith.constant 0 : i32
      %gt3A_195 = arith.cmpi sgt, %scan3A_190, %gt3A : i32
      %convert_element_type3A = arith.extui %gt3A_195 : i1 to i32
      %cond3A = arith.constant 0 : i32
      %cond3A_196 = arith.cmpi ne, %convert_element_type3A, %cond3A : i32
      scf.if %cond3A_196 {
        %sub3A_765 = arith.constant 8 : i32
        %sub3A_766 = arith.subi %add3A_194, %sub3A_765 : i32
        %jit3A_767 = arith.constant 4 : i32
        %div3A_768 = arith.divsi %sub3A_766, %jit3A_767 : i32
        %sign3A_769 = arith.constant 0 : i32
        %sign3A_770 = arith.cmpi sgt, %sub3A_766, %sign3A_769 : i32
        %sign3A_771 = arith.extui %sign3A_770 : i1 to i32
        %sign3A_772 = arith.constant 0 : i32
        %sign3A_773 = arith.cmpi slt, %sub3A_766, %sign3A_772 : i32
        %sign3A_774 = arith.extui %sign3A_773 : i1 to i32
        %sign3A_775 = arith.subi %sign3A_771, %sign3A_774 : i32
        %sign3A_776 = arith.constant 0 : i32
        %sign3A_777 = arith.cmpi sgt, %jit3A_767, %sign3A_776 : i32
        %sign3A_778 = arith.extui %sign3A_777 : i1 to i32
        %sign3A_779 = arith.constant 0 : i32
        %sign3A_780 = arith.cmpi slt, %jit3A_767, %sign3A_779 : i32
        %sign3A_781 = arith.extui %sign3A_780 : i1 to i32
        %sign3A_782 = arith.subi %sign3A_778, %sign3A_781 : i32
        %ne3A_783 = arith.cmpi ne, %sign3A_775, %sign3A_782 : i32
        %rem3A_784 = arith.remsi %sub3A_766, %jit3A_767 : i32
        %ne3A_785 = arith.constant 0 : i32
        %ne3A_786 = arith.cmpi ne, %rem3A_784, %ne3A_785 : i32
        %and3A_787 = arith.andi %ne3A_783, %ne3A_786 : i1
        %sub3A_788 = arith.constant 1 : i32
        %sub3A_789 = arith.subi %div3A_768, %sub3A_788 : i32
        %select_n3A_790 = arith.select %and3A_787, %sub3A_789, %div3A_768 : i32
        %jit3A_791 = arith.constant 4 : i32
        %eq3A_792 = arith.constant 0 : i32
        %eq3A_793 = arith.cmpi eq, %jit3A_791, %eq3A_792 : i32
        %jit3A_794 = arith.constant 1 : i32
        %select_n3A_795 = arith.select %eq3A_793, %jit3A_794, %jit3A_791 : i32
        %rem3A_796 = arith.remsi %sub3A_766, %select_n3A_795 : i32
        %ne3A_797 = arith.constant 0 : i32
        %ne3A_798 = arith.cmpi ne, %rem3A_796, %ne3A_797 : i32
        %lt3A_799 = arith.constant 0 : i32
        %lt3A_800 = arith.cmpi slt, %rem3A_796, %lt3A_799 : i32
        %lt3A_801 = arith.constant 0 : i32
        %lt3A_802 = arith.cmpi slt, %select_n3A_795, %lt3A_801 : i32
        %ne3A_803 = arith.xori %lt3A_800, %lt3A_802 : i1
        %and3A_804 = arith.andi %ne3A_803, %ne3A_798 : i1
        %add3A_805 = arith.addi %rem3A_796, %select_n3A_795 : i32
        %select_n3A_806 = arith.select %and3A_804, %add3A_805, %rem3A_796 : i32
        %mul3A_807 = arith.constant 128 : i32
        %mul3A_808 = arith.muli %select_n3A_806, %mul3A_807 : i32
        %add3A_809 = arith.addi %mul3A_2, %mul3A_808 : i32
        %dma_wait3A_810 = arith.constant 0 : i32
        %dma_wait3A_811 = tpu.memref_slice %arg4[%select_n3A_790, %add3A_809, %dma_wait3A_810] : memref<50x16384x64xf32, #tpu.memory_space<hbm>> -> memref<1x128x64xf32, #tpu.memory_space<hbm>>
        %dma_wait3A_812 = tpu.memref_squeeze %dma_wait3A_811 : memref<1x128x64xf32, #tpu.memory_space<hbm>> -> memref<128x64xf32, #tpu.memory_space<hbm>>
        %dma_wait3A_813 = arith.constant 0 : i32
        %dma_wait3A_814 = tpu.memref_slice %arg4[%select_n3A_790, %add3A_809, %dma_wait3A_813] : memref<50x16384x64xf32, #tpu.memory_space<hbm>> -> memref<1x128x64xf32, #tpu.memory_space<hbm>>
        %dma_wait3A_815 = tpu.memref_squeeze %dma_wait3A_814 : memref<1x128x64xf32, #tpu.memory_space<hbm>> -> memref<128x64xf32, #tpu.memory_space<hbm>>
        tpu.wait_dma2 semaphore(%arg22 : memref<!tpu.dma_semaphore, #tpu.memory_space<semaphore_mem>>) src(%arg6 : memref<128x64xf32, #tpu.memory_space<vmem>>) dst(%dma_wait3A_815 : memref<128x64xf32, #tpu.memory_space<hbm>>)
      } else {
      }
      %jit3A = arith.constant 4 : i32
      %div3A = arith.divsi %add3A_194, %jit3A : i32
      %sign3A = arith.constant 0 : i32
      %sign3A_197 = arith.cmpi sgt, %add3A_194, %sign3A : i32
      %sign3A_198 = arith.extui %sign3A_197 : i1 to i32
      %sign3A_199 = arith.constant 0 : i32
      %sign3A_200 = arith.cmpi slt, %add3A_194, %sign3A_199 : i32
      %sign3A_201 = arith.extui %sign3A_200 : i1 to i32
      %sign3A_202 = arith.subi %sign3A_198, %sign3A_201 : i32
      %sign3A_203 = arith.constant 0 : i32
      %sign3A_204 = arith.cmpi sgt, %jit3A, %sign3A_203 : i32
      %sign3A_205 = arith.extui %sign3A_204 : i1 to i32
      %sign3A_206 = arith.constant 0 : i32
      %sign3A_207 = arith.cmpi slt, %jit3A, %sign3A_206 : i32
      %sign3A_208 = arith.extui %sign3A_207 : i1 to i32
      %sign3A_209 = arith.subi %sign3A_205, %sign3A_208 : i32
      %ne3A = arith.cmpi ne, %sign3A_202, %sign3A_209 : i32
      %rem3A = arith.remsi %add3A_194, %jit3A : i32
      %ne3A_210 = arith.constant 0 : i32
      %ne3A_211 = arith.cmpi ne, %rem3A, %ne3A_210 : i32
      %and3A = arith.andi %ne3A, %ne3A_211 : i1
      %sub3A = arith.constant 1 : i32
      %sub3A_212 = arith.subi %div3A, %sub3A : i32
      %select_n3A = arith.select %and3A, %sub3A_212, %div3A : i32
      %jit3A_213 = arith.constant 4 : i32
      %eq3A = arith.constant 0 : i32
      %eq3A_214 = arith.cmpi eq, %jit3A_213, %eq3A : i32
      %jit3A_215 = arith.constant 1 : i32
      %select_n3A_216 = arith.select %eq3A_214, %jit3A_215, %jit3A_213 : i32
      %rem3A_217 = arith.remsi %add3A_194, %select_n3A_216 : i32
      %ne3A_218 = arith.constant 0 : i32
      %ne3A_219 = arith.cmpi ne, %rem3A_217, %ne3A_218 : i32
      %lt3A = arith.constant 0 : i32
      %lt3A_220 = arith.cmpi slt, %rem3A_217, %lt3A : i32
      %lt3A_221 = arith.constant 0 : i32
      %lt3A_222 = arith.cmpi slt, %select_n3A_216, %lt3A_221 : i32
      %ne3A_223 = arith.xori %lt3A_220, %lt3A_222 : i1
      %and3A_224 = arith.andi %ne3A_223, %ne3A_219 : i1
      %add3A_225 = arith.addi %rem3A_217, %select_n3A_216 : i32
      %select_n3A_226 = arith.select %and3A_224, %add3A_225, %rem3A_217 : i32
      %mul3A_227 = arith.constant 128 : i32
      %mul3A_228 = arith.muli %select_n3A_226, %mul3A_227 : i32
      %dma_start3A_229 = tpu.memref_slice %arg5[%select_n3A, %mul3A_228] : memref<50x512xi32, #tpu.memory_space<vmem>> -> memref<1x128xi32, #tpu.memory_space<vmem>>
      %dma_start3A_230 = tpu.memref_squeeze %dma_start3A_229 : memref<1x128xi32, #tpu.memory_space<vmem>> -> memref<128xi32, #tpu.memory_space<vmem>>
      %dma_start3A_231 = arith.constant 0 : i32
      %dma_start3A_232 = arith.constant 0 : i32
      %dma_start3A_233 = tpu.memref_slice %arg3[%dma_start3A_231, %dma_start3A_232] : memref<2000000x64xf32, #tpu.memory_space<hbm>> -> memref<2000000x64xf32, #tpu.memory_space<hbm>>
      tpu.enqueue_indirect_dma source(%dma_start3A_233 : memref<2000000x64xf32, #tpu.memory_space<hbm>>) target(%arg6 : memref<128x64xf32, #tpu.memory_space<vmem>>) offsets(%dma_start3A_230 : memref<128xi32, #tpu.memory_space<vmem>>) semaphore(%arg14 : memref<!tpu.dma_semaphore, #tpu.memory_space<semaphore_mem>>)
      %gt3A_234 = arith.constant 0 : i32
      %gt3A_235 = arith.cmpi sgt, %scan3A_190, %gt3A_234 : i32
      %convert_element_type3A_236 = arith.extui %gt3A_235 : i1 to i32
      %cond3A_237 = arith.constant 0 : i32
      %cond3A_238 = arith.cmpi ne, %convert_element_type3A_236, %cond3A_237 : i32
      scf.if %cond3A_238 {
        %sub3A_765 = arith.constant 8 : i32
        %sub3A_766 = arith.subi %add3A_194, %sub3A_765 : i32
        %add3A_767 = arith.constant 1 : i32
        %add3A_768 = arith.addi %sub3A_766, %add3A_767 : i32
        %jit3A_769 = arith.constant 4 : i32
        %div3A_770 = arith.divsi %add3A_768, %jit3A_769 : i32
        %sign3A_771 = arith.constant 0 : i32
        %sign3A_772 = arith.cmpi sgt, %add3A_768, %sign3A_771 : i32
        %sign3A_773 = arith.extui %sign3A_772 : i1 to i32
        %sign3A_774 = arith.constant 0 : i32
        %sign3A_775 = arith.cmpi slt, %add3A_768, %sign3A_774 : i32
        %sign3A_776 = arith.extui %sign3A_775 : i1 to i32
        %sign3A_777 = arith.subi %sign3A_773, %sign3A_776 : i32
        %sign3A_778 = arith.constant 0 : i32
        %sign3A_779 = arith.cmpi sgt, %jit3A_769, %sign3A_778 : i32
        %sign3A_780 = arith.extui %sign3A_779 : i1 to i32
        %sign3A_781 = arith.constant 0 : i32
        %sign3A_782 = arith.cmpi slt, %jit3A_769, %sign3A_781 : i32
        %sign3A_783 = arith.extui %sign3A_782 : i1 to i32
        %sign3A_784 = arith.subi %sign3A_780, %sign3A_783 : i32
        %ne3A_785 = arith.cmpi ne, %sign3A_777, %sign3A_784 : i32
        %rem3A_786 = arith.remsi %add3A_768, %jit3A_769 : i32
        %ne3A_787 = arith.constant 0 : i32
        %ne3A_788 = arith.cmpi ne, %rem3A_786, %ne3A_787 : i32
        %and3A_789 = arith.andi %ne3A_785, %ne3A_788 : i1
        %sub3A_790 = arith.constant 1 : i32
        %sub3A_791 = arith.subi %div3A_770, %sub3A_790 : i32
        %select_n3A_792 = arith.select %and3A_789, %sub3A_791, %div3A_770 : i32
        %jit3A_793 = arith.constant 4 : i32
        %eq3A_794 = arith.constant 0 : i32
        %eq3A_795 = arith.cmpi eq, %jit3A_793, %eq3A_794 : i32
        %jit3A_796 = arith.constant 1 : i32
        %select_n3A_797 = arith.select %eq3A_795, %jit3A_796, %jit3A_793 : i32
        %rem3A_798 = arith.remsi %add3A_768, %select_n3A_797 : i32
        %ne3A_799 = arith.constant 0 : i32
        %ne3A_800 = arith.cmpi ne, %rem3A_798, %ne3A_799 : i32
        %lt3A_801 = arith.constant 0 : i32
        %lt3A_802 = arith.cmpi slt, %rem3A_798, %lt3A_801 : i32
        %lt3A_803 = arith.constant 0 : i32
        %lt3A_804 = arith.cmpi slt, %select_n3A_797, %lt3A_803 : i32
        %ne3A_805 = arith.xori %lt3A_802, %lt3A_804 : i1
        %and3A_806 = arith.andi %ne3A_805, %ne3A_800 : i1
        %add3A_807 = arith.addi %rem3A_798, %select_n3A_797 : i32
        %select_n3A_808 = arith.select %and3A_806, %add3A_807, %rem3A_798 : i32
        %mul3A_809 = arith.constant 128 : i32
        %mul3A_810 = arith.muli %select_n3A_808, %mul3A_809 : i32
        %dma_wait3A_811 = tpu.memref_slice %arg5[%select_n3A_792, %mul3A_810] : memref<50x512xi32, #tpu.memory_space<vmem>> -> memref<1x128xi32, #tpu.memory_space<vmem>>
        %dma_wait3A_812 = tpu.memref_squeeze %dma_wait3A_811 : memref<1x128xi32, #tpu.memory_space<vmem>> -> memref<128xi32, #tpu.memory_space<vmem>>
        %dma_wait3A_813 = arith.constant 0 : i32
        %dma_wait3A_814 = arith.constant 0 : i32
        %dma_wait3A_815 = tpu.memref_slice %arg3[%dma_wait3A_813, %dma_wait3A_814] : memref<2000000x64xf32, #tpu.memory_space<hbm>> -> memref<2000000x64xf32, #tpu.memory_space<hbm>>
        tpu.wait_indirect_dma semaphore(%arg15 : memref<!tpu.dma_semaphore, #tpu.memory_space<semaphore_mem>>) src(%dma_wait3A_815 : memref<2000000x64xf32, #tpu.memory_space<hbm>>) dst(%arg7 : memref<128x64xf32, #tpu.memory_space<vmem>>)
        %sub3A_816 = arith.constant 8 : i32
        %sub3A_817 = arith.subi %add3A_194, %sub3A_816 : i32
        %add3A_818 = arith.constant 1 : i32
        %add3A_819 = arith.addi %sub3A_817, %add3A_818 : i32
        %jit3A_820 = arith.constant 4 : i32
        %div3A_821 = arith.divsi %add3A_819, %jit3A_820 : i32
        %sign3A_822 = arith.constant 0 : i32
        %sign3A_823 = arith.cmpi sgt, %add3A_819, %sign3A_822 : i32
        %sign3A_824 = arith.extui %sign3A_823 : i1 to i32
        %sign3A_825 = arith.constant 0 : i32
        %sign3A_826 = arith.cmpi slt, %add3A_819, %sign3A_825 : i32
        %sign3A_827 = arith.extui %sign3A_826 : i1 to i32
        %sign3A_828 = arith.subi %sign3A_824, %sign3A_827 : i32
        %sign3A_829 = arith.constant 0 : i32
        %sign3A_830 = arith.cmpi sgt, %jit3A_820, %sign3A_829 : i32
        %sign3A_831 = arith.extui %sign3A_830 : i1 to i32
        %sign3A_832 = arith.constant 0 : i32
        %sign3A_833 = arith.cmpi slt, %jit3A_820, %sign3A_832 : i32
        %sign3A_834 = arith.extui %sign3A_833 : i1 to i32
        %sign3A_835 = arith.subi %sign3A_831, %sign3A_834 : i32
        %ne3A_836 = arith.cmpi ne, %sign3A_828, %sign3A_835 : i32
        %rem3A_837 = arith.remsi %add3A_819, %jit3A_820 : i32
        %ne3A_838 = arith.constant 0 : i32
        %ne3A_839 = arith.cmpi ne, %rem3A_837, %ne3A_838 : i32
        %and3A_840 = arith.andi %ne3A_836, %ne3A_839 : i1
        %sub3A_841 = arith.constant 1 : i32
        %sub3A_842 = arith.subi %div3A_821, %sub3A_841 : i32
        %select_n3A_843 = arith.select %and3A_840, %sub3A_842, %div3A_821 : i32
        %jit3A_844 = arith.constant 4 : i32
        %eq3A_845 = arith.constant 0 : i32
        %eq3A_846 = arith.cmpi eq, %jit3A_844, %eq3A_845 : i32
        %jit3A_847 = arith.constant 1 : i32
        %select_n3A_848 = arith.select %eq3A_846, %jit3A_847, %jit3A_844 : i32
        %rem3A_849 = arith.remsi %add3A_819, %select_n3A_848 : i32
        %ne3A_850 = arith.constant 0 : i32
        %ne3A_851 = arith.cmpi ne, %rem3A_849, %ne3A_850 : i32
        %lt3A_852 = arith.constant 0 : i32
        %lt3A_853 = arith.cmpi slt, %rem3A_849, %lt3A_852 : i32
        %lt3A_854 = arith.constant 0 : i32
        %lt3A_855 = arith.cmpi slt, %select_n3A_848, %lt3A_854 : i32
        %ne3A_856 = arith.xori %lt3A_853, %lt3A_855 : i1
        %and3A_857 = arith.andi %ne3A_856, %ne3A_851 : i1
        %add3A_858 = arith.addi %rem3A_849, %select_n3A_848 : i32
        %select_n3A_859 = arith.select %and3A_857, %add3A_858, %rem3A_849 : i32
        %mul3A_860 = arith.constant 128 : i32
        %mul3A_861 = arith.muli %select_n3A_859, %mul3A_860 : i32
        %add3A_862 = arith.addi %mul3A_2, %mul3A_861 : i32
        %dma_start3A_863 = arith.constant 0 : i32
        %dma_start3A_864 = tpu.memref_slice %arg4[%select_n3A_843, %add3A_862, %dma_start3A_863] : memref<50x16384x64xf32, #tpu.memory_space<hbm>> -> memref<1x128x64xf32, #tpu.memory_space<hbm>>
        %dma_start3A_865 = tpu.memref_squeeze %dma_start3A_864 : memref<1x128x64xf32, #tpu.memory_space<hbm>> -> memref<128x64xf32, #tpu.memory_space<hbm>>
        %dma_start3A_866 = arith.constant 0 : i32
        %dma_start3A_867 = tpu.memref_slice %arg4[%select_n3A_843, %add3A_862, %dma_start3A_866] : memref<50x16384x64xf32, #tpu.memory_space<hbm>> -> memref<1x128x64xf32, #tpu.memory_space<hbm>>
        %dma_start3A_868 = tpu.memref_squeeze %dma_start3A_867 : memref<1x128x64xf32, #tpu.memory_space<hbm>> -> memref<128x64xf32, #tpu.memory_space<hbm>>
        tpu.enqueue_dma source(%arg7 : memref<128x64xf32, #tpu.memory_space<vmem>>) target(%dma_start3A_868 : memref<128x64xf32, #tpu.memory_space<hbm>>) target_semaphore(%arg23 : memref<!tpu.dma_semaphore, #tpu.memory_space<semaphore_mem>>)
      } else {
      }
      %mul3A_239 = arith.constant 8 : i32
      %mul3A_240 = arith.muli %scan3A_190, %mul3A_239 : i32
      %add3A_241 = arith.constant 1 : i32
      %add3A_242 = arith.addi %mul3A_240, %add3A_241 : i32
      %gt3A_243 = arith.constant 0 : i32
      %gt3A_244 = arith.cmpi sgt, %scan3A_190, %gt3A_243 : i32
      %convert_element_type3A_245 = arith.extui %gt3A_244 : i1 to i32
      %cond3A_246 = arith.constant 0 : i32
      %cond3A_247 = arith.cmpi ne, %convert_element_type3A_245, %cond3A_246 : i32
      scf.if %cond3A_247 {
        %sub3A_765 = arith.constant 8 : i32
        %sub3A_766 = arith.subi %add3A_242, %sub3A_765 : i32
        %jit3A_767 = arith.constant 4 : i32
        %div3A_768 = arith.divsi %sub3A_766, %jit3A_767 : i32
        %sign3A_769 = arith.constant 0 : i32
        %sign3A_770 = arith.cmpi sgt, %sub3A_766, %sign3A_769 : i32
        %sign3A_771 = arith.extui %sign3A_770 : i1 to i32
        %sign3A_772 = arith.constant 0 : i32
        %sign3A_773 = arith.cmpi slt, %sub3A_766, %sign3A_772 : i32
        %sign3A_774 = arith.extui %sign3A_773 : i1 to i32
        %sign3A_775 = arith.subi %sign3A_771, %sign3A_774 : i32
        %sign3A_776 = arith.constant 0 : i32
        %sign3A_777 = arith.cmpi sgt, %jit3A_767, %sign3A_776 : i32
        %sign3A_778 = arith.extui %sign3A_777 : i1 to i32
        %sign3A_779 = arith.constant 0 : i32
        %sign3A_780 = arith.cmpi slt, %jit3A_767, %sign3A_779 : i32
        %sign3A_781 = arith.extui %sign3A_780 : i1 to i32
        %sign3A_782 = arith.subi %sign3A_778, %sign3A_781 : i32
        %ne3A_783 = arith.cmpi ne, %sign3A_775, %sign3A_782 : i32
        %rem3A_784 = arith.remsi %sub3A_766, %jit3A_767 : i32
        %ne3A_785 = arith.constant 0 : i32
        %ne3A_786 = arith.cmpi ne, %rem3A_784, %ne3A_785 : i32
        %and3A_787 = arith.andi %ne3A_783, %ne3A_786 : i1
        %sub3A_788 = arith.constant 1 : i32
        %sub3A_789 = arith.subi %div3A_768, %sub3A_788 : i32
        %select_n3A_790 = arith.select %and3A_787, %sub3A_789, %div3A_768 : i32
        %jit3A_791 = arith.constant 4 : i32
        %eq3A_792 = arith.constant 0 : i32
        %eq3A_793 = arith.cmpi eq, %jit3A_791, %eq3A_792 : i32
        %jit3A_794 = arith.constant 1 : i32
        %select_n3A_795 = arith.select %eq3A_793, %jit3A_794, %jit3A_791 : i32
        %rem3A_796 = arith.remsi %sub3A_766, %select_n3A_795 : i32
        %ne3A_797 = arith.constant 0 : i32
        %ne3A_798 = arith.cmpi ne, %rem3A_796, %ne3A_797 : i32
        %lt3A_799 = arith.constant 0 : i32
        %lt3A_800 = arith.cmpi slt, %rem3A_796, %lt3A_799 : i32
        %lt3A_801 = arith.constant 0 : i32
        %lt3A_802 = arith.cmpi slt, %select_n3A_795, %lt3A_801 : i32
        %ne3A_803 = arith.xori %lt3A_800, %lt3A_802 : i1
        %and3A_804 = arith.andi %ne3A_803, %ne3A_798 : i1
        %add3A_805 = arith.addi %rem3A_796, %select_n3A_795 : i32
        %select_n3A_806 = arith.select %and3A_804, %add3A_805, %rem3A_796 : i32
        %mul3A_807 = arith.constant 128 : i32
        %mul3A_808 = arith.muli %select_n3A_806, %mul3A_807 : i32
        %add3A_809 = arith.addi %mul3A_2, %mul3A_808 : i32
        %dma_wait3A_810 = arith.constant 0 : i32
        %dma_wait3A_811 = tpu.memref_slice %arg4[%select_n3A_790, %add3A_809, %dma_wait3A_810] : memref<50x16384x64xf32, #tpu.memory_space<hbm>> -> memref<1x128x64xf32, #tpu.memory_space<hbm>>
        %dma_wait3A_812 = tpu.memref_squeeze %dma_wait3A_811 : memref<1x128x64xf32, #tpu.memory_space<hbm>> -> memref<128x64xf32, #tpu.memory_space<hbm>>
        %dma_wait3A_813 = arith.constant 0 : i32
        %dma_wait3A_814 = tpu.memref_slice %arg4[%select_n3A_790, %add3A_809, %dma_wait3A_813] : memref<50x16384x64xf32, #tpu.memory_space<hbm>> -> memref<1x128x64xf32, #tpu.memory_space<hbm>>
        %dma_wait3A_815 = tpu.memref_squeeze %dma_wait3A_814 : memref<1x128x64xf32, #tpu.memory_space<hbm>> -> memref<128x64xf32, #tpu.memory_space<hbm>>
        tpu.wait_dma2 semaphore(%arg23 : memref<!tpu.dma_semaphore, #tpu.memory_space<semaphore_mem>>) src(%arg7 : memref<128x64xf32, #tpu.memory_space<vmem>>) dst(%dma_wait3A_815 : memref<128x64xf32, #tpu.memory_space<hbm>>)
      } else {
      }
      %jit3A_248 = arith.constant 4 : i32
      %div3A_249 = arith.divsi %add3A_242, %jit3A_248 : i32
      %sign3A_250 = arith.constant 0 : i32
      %sign3A_251 = arith.cmpi sgt, %add3A_242, %sign3A_250 : i32
      %sign3A_252 = arith.extui %sign3A_251 : i1 to i32
      %sign3A_253 = arith.constant 0 : i32
      %sign3A_254 = arith.cmpi slt, %add3A_242, %sign3A_253 : i32
      %sign3A_255 = arith.extui %sign3A_254 : i1 to i32
      %sign3A_256 = arith.subi %sign3A_252, %sign3A_255 : i32
      %sign3A_257 = arith.constant 0 : i32
      %sign3A_258 = arith.cmpi sgt, %jit3A_248, %sign3A_257 : i32
      %sign3A_259 = arith.extui %sign3A_258 : i1 to i32
      %sign3A_260 = arith.constant 0 : i32
      %sign3A_261 = arith.cmpi slt, %jit3A_248, %sign3A_260 : i32
      %sign3A_262 = arith.extui %sign3A_261 : i1 to i32
      %sign3A_263 = arith.subi %sign3A_259, %sign3A_262 : i32
      %ne3A_264 = arith.cmpi ne, %sign3A_256, %sign3A_263 : i32
      %rem3A_265 = arith.remsi %add3A_242, %jit3A_248 : i32
      %ne3A_266 = arith.constant 0 : i32
      %ne3A_267 = arith.cmpi ne, %rem3A_265, %ne3A_266 : i32
      %and3A_268 = arith.andi %ne3A_264, %ne3A_267 : i1
      %sub3A_269 = arith.constant 1 : i32
      %sub3A_270 = arith.subi %div3A_249, %sub3A_269 : i32
      %select_n3A_271 = arith.select %and3A_268, %sub3A_270, %div3A_249 : i32
      %jit3A_272 = arith.constant 4 : i32
      %eq3A_273 = arith.constant 0 : i32
      %eq3A_274 = arith.cmpi eq, %jit3A_272, %eq3A_273 : i32
      %jit3A_275 = arith.constant 1 : i32
      %select_n3A_276 = arith.select %eq3A_274, %jit3A_275, %jit3A_272 : i32
      %rem3A_277 = arith.remsi %add3A_242, %select_n3A_276 : i32
      %ne3A_278 = arith.constant 0 : i32
      %ne3A_279 = arith.cmpi ne, %rem3A_277, %ne3A_278 : i32
      %lt3A_280 = arith.constant 0 : i32
      %lt3A_281 = arith.cmpi slt, %rem3A_277, %lt3A_280 : i32
      %lt3A_282 = arith.constant 0 : i32
      %lt3A_283 = arith.cmpi slt, %select_n3A_276, %lt3A_282 : i32
      %ne3A_284 = arith.xori %lt3A_281, %lt3A_283 : i1
      %and3A_285 = arith.andi %ne3A_284, %ne3A_279 : i1
      %add3A_286 = arith.addi %rem3A_277, %select_n3A_276 : i32
      %select_n3A_287 = arith.select %and3A_285, %add3A_286, %rem3A_277 : i32
      %mul3A_288 = arith.constant 128 : i32
      %mul3A_289 = arith.muli %select_n3A_287, %mul3A_288 : i32
      %dma_start3A_290 = tpu.memref_slice %arg5[%select_n3A_271, %mul3A_289] : memref<50x512xi32, #tpu.memory_space<vmem>> -> memref<1x128xi32, #tpu.memory_space<vmem>>
      %dma_start3A_291 = tpu.memref_squeeze %dma_start3A_290 : memref<1x128xi32, #tpu.memory_space<vmem>> -> memref<128xi32, #tpu.memory_space<vmem>>
      %dma_start3A_292 = arith.constant 0 : i32
      %dma_start3A_293 = arith.constant 0 : i32
      %dma_start3A_294 = tpu.memref_slice %arg3[%dma_start3A_292, %dma_start3A_293] : memref<2000000x64xf32, #tpu.memory_space<hbm>> -> memref<2000000x64xf32, #tpu.memory_space<hbm>>
      tpu.enqueue_indirect_dma source(%dma_start3A_294 : memref<2000000x64xf32, #tpu.memory_space<hbm>>) target(%arg7 : memref<128x64xf32, #tpu.memory_space<vmem>>) offsets(%dma_start3A_291 : memref<128xi32, #tpu.memory_space<vmem>>) semaphore(%arg15 : memref<!tpu.dma_semaphore, #tpu.memory_space<semaphore_mem>>)
      %gt3A_295 = arith.constant 0 : i32
      %gt3A_296 = arith.cmpi sgt, %scan3A_190, %gt3A_295 : i32
      %convert_element_type3A_297 = arith.extui %gt3A_296 : i1 to i32
      %cond3A_298 = arith.constant 0 : i32
      %cond3A_299 = arith.cmpi ne, %convert_element_type3A_297, %cond3A_298 : i32
      scf.if %cond3A_299 {
        %sub3A_765 = arith.constant 8 : i32
        %sub3A_766 = arith.subi %add3A_242, %sub3A_765 : i32
        %add3A_767 = arith.constant 1 : i32
        %add3A_768 = arith.addi %sub3A_766, %add3A_767 : i32
        %jit3A_769 = arith.constant 4 : i32
        %div3A_770 = arith.divsi %add3A_768, %jit3A_769 : i32
        %sign3A_771 = arith.constant 0 : i32
        %sign3A_772 = arith.cmpi sgt, %add3A_768, %sign3A_771 : i32
        %sign3A_773 = arith.extui %sign3A_772 : i1 to i32
        %sign3A_774 = arith.constant 0 : i32
        %sign3A_775 = arith.cmpi slt, %add3A_768, %sign3A_774 : i32
        %sign3A_776 = arith.extui %sign3A_775 : i1 to i32
        %sign3A_777 = arith.subi %sign3A_773, %sign3A_776 : i32
        %sign3A_778 = arith.constant 0 : i32
        %sign3A_779 = arith.cmpi sgt, %jit3A_769, %sign3A_778 : i32
        %sign3A_780 = arith.extui %sign3A_779 : i1 to i32
        %sign3A_781 = arith.constant 0 : i32
        %sign3A_782 = arith.cmpi slt, %jit3A_769, %sign3A_781 : i32
        %sign3A_783 = arith.extui %sign3A_782 : i1 to i32
        %sign3A_784 = arith.subi %sign3A_780, %sign3A_783 : i32
        %ne3A_785 = arith.cmpi ne, %sign3A_777, %sign3A_784 : i32
        %rem3A_786 = arith.remsi %add3A_768, %jit3A_769 : i32
        %ne3A_787 = arith.constant 0 : i32
        %ne3A_788 = arith.cmpi ne, %rem3A_786, %ne3A_787 : i32
        %and3A_789 = arith.andi %ne3A_785, %ne3A_788 : i1
        %sub3A_790 = arith.constant 1 : i32
        %sub3A_791 = arith.subi %div3A_770, %sub3A_790 : i32
        %select_n3A_792 = arith.select %and3A_789, %sub3A_791, %div3A_770 : i32
        %jit3A_793 = arith.constant 4 : i32
        %eq3A_794 = arith.constant 0 : i32
        %eq3A_795 = arith.cmpi eq, %jit3A_793, %eq3A_794 : i32
        %jit3A_796 = arith.constant 1 : i32
        %select_n3A_797 = arith.select %eq3A_795, %jit3A_796, %jit3A_793 : i32
        %rem3A_798 = arith.remsi %add3A_768, %select_n3A_797 : i32
        %ne3A_799 = arith.constant 0 : i32
        %ne3A_800 = arith.cmpi ne, %rem3A_798, %ne3A_799 : i32
        %lt3A_801 = arith.constant 0 : i32
        %lt3A_802 = arith.cmpi slt, %rem3A_798, %lt3A_801 : i32
        %lt3A_803 = arith.constant 0 : i32
        %lt3A_804 = arith.cmpi slt, %select_n3A_797, %lt3A_803 : i32
        %ne3A_805 = arith.xori %lt3A_802, %lt3A_804 : i1
        %and3A_806 = arith.andi %ne3A_805, %ne3A_800 : i1
        %add3A_807 = arith.addi %rem3A_798, %select_n3A_797 : i32
        %select_n3A_808 = arith.select %and3A_806, %add3A_807, %rem3A_798 : i32
        %mul3A_809 = arith.constant 128 : i32
        %mul3A_810 = arith.muli %select_n3A_808, %mul3A_809 : i32
        %dma_wait3A_811 = tpu.memref_slice %arg5[%select_n3A_792, %mul3A_810] : memref<50x512xi32, #tpu.memory_space<vmem>> -> memref<1x128xi32, #tpu.memory_space<vmem>>
        %dma_wait3A_812 = tpu.memref_squeeze %dma_wait3A_811 : memref<1x128xi32, #tpu.memory_space<vmem>> -> memref<128xi32, #tpu.memory_space<vmem>>
        %dma_wait3A_813 = arith.constant 0 : i32
        %dma_wait3A_814 = arith.constant 0 : i32
        %dma_wait3A_815 = tpu.memref_slice %arg3[%dma_wait3A_813, %dma_wait3A_814] : memref<2000000x64xf32, #tpu.memory_space<hbm>> -> memref<2000000x64xf32, #tpu.memory_space<hbm>>
        tpu.wait_indirect_dma semaphore(%arg16 : memref<!tpu.dma_semaphore, #tpu.memory_space<semaphore_mem>>) src(%dma_wait3A_815 : memref<2000000x64xf32, #tpu.memory_space<hbm>>) dst(%arg8 : memref<128x64xf32, #tpu.memory_space<vmem>>)
        %sub3A_816 = arith.constant 8 : i32
        %sub3A_817 = arith.subi %add3A_242, %sub3A_816 : i32
        %add3A_818 = arith.constant 1 : i32
        %add3A_819 = arith.addi %sub3A_817, %add3A_818 : i32
        %jit3A_820 = arith.constant 4 : i32
        %div3A_821 = arith.divsi %add3A_819, %jit3A_820 : i32
        %sign3A_822 = arith.constant 0 : i32
        %sign3A_823 = arith.cmpi sgt, %add3A_819, %sign3A_822 : i32
        %sign3A_824 = arith.extui %sign3A_823 : i1 to i32
        %sign3A_825 = arith.constant 0 : i32
        %sign3A_826 = arith.cmpi slt, %add3A_819, %sign3A_825 : i32
        %sign3A_827 = arith.extui %sign3A_826 : i1 to i32
        %sign3A_828 = arith.subi %sign3A_824, %sign3A_827 : i32
        %sign3A_829 = arith.constant 0 : i32
        %sign3A_830 = arith.cmpi sgt, %jit3A_820, %sign3A_829 : i32
        %sign3A_831 = arith.extui %sign3A_830 : i1 to i32
        %sign3A_832 = arith.constant 0 : i32
        %sign3A_833 = arith.cmpi slt, %jit3A_820, %sign3A_832 : i32
        %sign3A_834 = arith.extui %sign3A_833 : i1 to i32
        %sign3A_835 = arith.subi %sign3A_831, %sign3A_834 : i32
        %ne3A_836 = arith.cmpi ne, %sign3A_828, %sign3A_835 : i32
        %rem3A_837 = arith.remsi %add3A_819, %jit3A_820 : i32
        %ne3A_838 = arith.constant 0 : i32
        %ne3A_839 = arith.cmpi ne, %rem3A_837, %ne3A_838 : i32
        %and3A_840 = arith.andi %ne3A_836, %ne3A_839 : i1
        %sub3A_841 = arith.constant 1 : i32
        %sub3A_842 = arith.subi %div3A_821, %sub3A_841 : i32
        %select_n3A_843 = arith.select %and3A_840, %sub3A_842, %div3A_821 : i32
        %jit3A_844 = arith.constant 4 : i32
        %eq3A_845 = arith.constant 0 : i32
        %eq3A_846 = arith.cmpi eq, %jit3A_844, %eq3A_845 : i32
        %jit3A_847 = arith.constant 1 : i32
        %select_n3A_848 = arith.select %eq3A_846, %jit3A_847, %jit3A_844 : i32
        %rem3A_849 = arith.remsi %add3A_819, %select_n3A_848 : i32
        %ne3A_850 = arith.constant 0 : i32
        %ne3A_851 = arith.cmpi ne, %rem3A_849, %ne3A_850 : i32
        %lt3A_852 = arith.constant 0 : i32
        %lt3A_853 = arith.cmpi slt, %rem3A_849, %lt3A_852 : i32
        %lt3A_854 = arith.constant 0 : i32
        %lt3A_855 = arith.cmpi slt, %select_n3A_848, %lt3A_854 : i32
        %ne3A_856 = arith.xori %lt3A_853, %lt3A_855 : i1
        %and3A_857 = arith.andi %ne3A_856, %ne3A_851 : i1
        %add3A_858 = arith.addi %rem3A_849, %select_n3A_848 : i32
        %select_n3A_859 = arith.select %and3A_857, %add3A_858, %rem3A_849 : i32
        %mul3A_860 = arith.constant 128 : i32
        %mul3A_861 = arith.muli %select_n3A_859, %mul3A_860 : i32
        %add3A_862 = arith.addi %mul3A_2, %mul3A_861 : i32
        %dma_start3A_863 = arith.constant 0 : i32
        %dma_start3A_864 = tpu.memref_slice %arg4[%select_n3A_843, %add3A_862, %dma_start3A_863] : memref<50x16384x64xf32, #tpu.memory_space<hbm>> -> memref<1x128x64xf32, #tpu.memory_space<hbm>>
        %dma_start3A_865 = tpu.memref_squeeze %dma_start3A_864 : memref<1x128x64xf32, #tpu.memory_space<hbm>> -> memref<128x64xf32, #tpu.memory_space<hbm>>
        %dma_start3A_866 = arith.constant 0 : i32
        %dma_start3A_867 = tpu.memref_slice %arg4[%select_n3A_843, %add3A_862, %dma_start3A_866] : memref<50x16384x64xf32, #tpu.memory_space<hbm>> -> memref<1x128x64xf32, #tpu.memory_space<hbm>>
        %dma_start3A_868 = tpu.memref_squeeze %dma_start3A_867 : memref<1x128x64xf32, #tpu.memory_space<hbm>> -> memref<128x64xf32, #tpu.memory_space<hbm>>
        tpu.enqueue_dma source(%arg8 : memref<128x64xf32, #tpu.memory_space<vmem>>) target(%dma_start3A_868 : memref<128x64xf32, #tpu.memory_space<hbm>>) target_semaphore(%arg24 : memref<!tpu.dma_semaphore, #tpu.memory_space<semaphore_mem>>)
      } else {
      }
      %mul3A_300 = arith.constant 8 : i32
      %mul3A_301 = arith.muli %scan3A_190, %mul3A_300 : i32
      %add3A_302 = arith.constant 2 : i32
      %add3A_303 = arith.addi %mul3A_301, %add3A_302 : i32
      %gt3A_304 = arith.constant 0 : i32
      %gt3A_305 = arith.cmpi sgt, %scan3A_190, %gt3A_304 : i32
      %convert_element_type3A_306 = arith.extui %gt3A_305 : i1 to i32
      %cond3A_307 = arith.constant 0 : i32
      %cond3A_308 = arith.cmpi ne, %convert_element_type3A_306, %cond3A_307 : i32
      scf.if %cond3A_308 {
        %sub3A_765 = arith.constant 8 : i32
        %sub3A_766 = arith.subi %add3A_303, %sub3A_765 : i32
        %jit3A_767 = arith.constant 4 : i32
        %div3A_768 = arith.divsi %sub3A_766, %jit3A_767 : i32
        %sign3A_769 = arith.constant 0 : i32
        %sign3A_770 = arith.cmpi sgt, %sub3A_766, %sign3A_769 : i32
        %sign3A_771 = arith.extui %sign3A_770 : i1 to i32
        %sign3A_772 = arith.constant 0 : i32
        %sign3A_773 = arith.cmpi slt, %sub3A_766, %sign3A_772 : i32
        %sign3A_774 = arith.extui %sign3A_773 : i1 to i32
        %sign3A_775 = arith.subi %sign3A_771, %sign3A_774 : i32
        %sign3A_776 = arith.constant 0 : i32
        %sign3A_777 = arith.cmpi sgt, %jit3A_767, %sign3A_776 : i32
        %sign3A_778 = arith.extui %sign3A_777 : i1 to i32
        %sign3A_779 = arith.constant 0 : i32
        %sign3A_780 = arith.cmpi slt, %jit3A_767, %sign3A_779 : i32
        %sign3A_781 = arith.extui %sign3A_780 : i1 to i32
        %sign3A_782 = arith.subi %sign3A_778, %sign3A_781 : i32
        %ne3A_783 = arith.cmpi ne, %sign3A_775, %sign3A_782 : i32
        %rem3A_784 = arith.remsi %sub3A_766, %jit3A_767 : i32
        %ne3A_785 = arith.constant 0 : i32
        %ne3A_786 = arith.cmpi ne, %rem3A_784, %ne3A_785 : i32
        %and3A_787 = arith.andi %ne3A_783, %ne3A_786 : i1
        %sub3A_788 = arith.constant 1 : i32
        %sub3A_789 = arith.subi %div3A_768, %sub3A_788 : i32
        %select_n3A_790 = arith.select %and3A_787, %sub3A_789, %div3A_768 : i32
        %jit3A_791 = arith.constant 4 : i32
        %eq3A_792 = arith.constant 0 : i32
        %eq3A_793 = arith.cmpi eq, %jit3A_791, %eq3A_792 : i32
        %jit3A_794 = arith.constant 1 : i32
        %select_n3A_795 = arith.select %eq3A_793, %jit3A_794, %jit3A_791 : i32
        %rem3A_796 = arith.remsi %sub3A_766, %select_n3A_795 : i32
        %ne3A_797 = arith.constant 0 : i32
        %ne3A_798 = arith.cmpi ne, %rem3A_796, %ne3A_797 : i32
        %lt3A_799 = arith.constant 0 : i32
        %lt3A_800 = arith.cmpi slt, %rem3A_796, %lt3A_799 : i32
        %lt3A_801 = arith.constant 0 : i32
        %lt3A_802 = arith.cmpi slt, %select_n3A_795, %lt3A_801 : i32
        %ne3A_803 = arith.xori %lt3A_800, %lt3A_802 : i1
        %and3A_804 = arith.andi %ne3A_803, %ne3A_798 : i1
        %add3A_805 = arith.addi %rem3A_796, %select_n3A_795 : i32
        %select_n3A_806 = arith.select %and3A_804, %add3A_805, %rem3A_796 : i32
        %mul3A_807 = arith.constant 128 : i32
        %mul3A_808 = arith.muli %select_n3A_806, %mul3A_807 : i32
        %add3A_809 = arith.addi %mul3A_2, %mul3A_808 : i32
        %dma_wait3A_810 = arith.constant 0 : i32
        %dma_wait3A_811 = tpu.memref_slice %arg4[%select_n3A_790, %add3A_809, %dma_wait3A_810] : memref<50x16384x64xf32, #tpu.memory_space<hbm>> -> memref<1x128x64xf32, #tpu.memory_space<hbm>>
        %dma_wait3A_812 = tpu.memref_squeeze %dma_wait3A_811 : memref<1x128x64xf32, #tpu.memory_space<hbm>> -> memref<128x64xf32, #tpu.memory_space<hbm>>
        %dma_wait3A_813 = arith.constant 0 : i32
        %dma_wait3A_814 = tpu.memref_slice %arg4[%select_n3A_790, %add3A_809, %dma_wait3A_813] : memref<50x16384x64xf32, #tpu.memory_space<hbm>> -> memref<1x128x64xf32, #tpu.memory_space<hbm>>
        %dma_wait3A_815 = tpu.memref_squeeze %dma_wait3A_814 : memref<1x128x64xf32, #tpu.memory_space<hbm>> -> memref<128x64xf32, #tpu.memory_space<hbm>>
        tpu.wait_dma2 semaphore(%arg24 : memref<!tpu.dma_semaphore, #tpu.memory_space<semaphore_mem>>) src(%arg8 : memref<128x64xf32, #tpu.memory_space<vmem>>) dst(%dma_wait3A_815 : memref<128x64xf32, #tpu.memory_space<hbm>>)
      } else {
      }
      %jit3A_309 = arith.constant 4 : i32
      %div3A_310 = arith.divsi %add3A_303, %jit3A_309 : i32
      %sign3A_311 = arith.constant 0 : i32
      %sign3A_312 = arith.cmpi sgt, %add3A_303, %sign3A_311 : i32
      %sign3A_313 = arith.extui %sign3A_312 : i1 to i32
      %sign3A_314 = arith.constant 0 : i32
      %sign3A_315 = arith.cmpi slt, %add3A_303, %sign3A_314 : i32
      %sign3A_316 = arith.extui %sign3A_315 : i1 to i32
      %sign3A_317 = arith.subi %sign3A_313, %sign3A_316 : i32
      %sign3A_318 = arith.constant 0 : i32
      %sign3A_319 = arith.cmpi sgt, %jit3A_309, %sign3A_318 : i32
      %sign3A_320 = arith.extui %sign3A_319 : i1 to i32
      %sign3A_321 = arith.constant 0 : i32
      %sign3A_322 = arith.cmpi slt, %jit3A_309, %sign3A_321 : i32
      %sign3A_323 = arith.extui %sign3A_322 : i1 to i32
      %sign3A_324 = arith.subi %sign3A_320, %sign3A_323 : i32
      %ne3A_325 = arith.cmpi ne, %sign3A_317, %sign3A_324 : i32
      %rem3A_326 = arith.remsi %add3A_303, %jit3A_309 : i32
      %ne3A_327 = arith.constant 0 : i32
      %ne3A_328 = arith.cmpi ne, %rem3A_326, %ne3A_327 : i32
      %and3A_329 = arith.andi %ne3A_325, %ne3A_328 : i1
      %sub3A_330 = arith.constant 1 : i32
      %sub3A_331 = arith.subi %div3A_310, %sub3A_330 : i32
      %select_n3A_332 = arith.select %and3A_329, %sub3A_331, %div3A_310 : i32
      %jit3A_333 = arith.constant 4 : i32
      %eq3A_334 = arith.constant 0 : i32
      %eq3A_335 = arith.cmpi eq, %jit3A_333, %eq3A_334 : i32
      %jit3A_336 = arith.constant 1 : i32
      %select_n3A_337 = arith.select %eq3A_335, %jit3A_336, %jit3A_333 : i32
      %rem3A_338 = arith.remsi %add3A_303, %select_n3A_337 : i32
      %ne3A_339 = arith.constant 0 : i32
      %ne3A_340 = arith.cmpi ne, %rem3A_338, %ne3A_339 : i32
      %lt3A_341 = arith.constant 0 : i32
      %lt3A_342 = arith.cmpi slt, %rem3A_338, %lt3A_341 : i32
      %lt3A_343 = arith.constant 0 : i32
      %lt3A_344 = arith.cmpi slt, %select_n3A_337, %lt3A_343 : i32
      %ne3A_345 = arith.xori %lt3A_342, %lt3A_344 : i1
      %and3A_346 = arith.andi %ne3A_345, %ne3A_340 : i1
      %add3A_347 = arith.addi %rem3A_338, %select_n3A_337 : i32
      %select_n3A_348 = arith.select %and3A_346, %add3A_347, %rem3A_338 : i32
      %mul3A_349 = arith.constant 128 : i32
      %mul3A_350 = arith.muli %select_n3A_348, %mul3A_349 : i32
      %dma_start3A_351 = tpu.memref_slice %arg5[%select_n3A_332, %mul3A_350] : memref<50x512xi32, #tpu.memory_space<vmem>> -> memref<1x128xi32, #tpu.memory_space<vmem>>
      %dma_start3A_352 = tpu.memref_squeeze %dma_start3A_351 : memref<1x128xi32, #tpu.memory_space<vmem>> -> memref<128xi32, #tpu.memory_space<vmem>>
      %dma_start3A_353 = arith.constant 0 : i32
      %dma_start3A_354 = arith.constant 0 : i32
      %dma_start3A_355 = tpu.memref_slice %arg3[%dma_start3A_353, %dma_start3A_354] : memref<2000000x64xf32, #tpu.memory_space<hbm>> -> memref<2000000x64xf32, #tpu.memory_space<hbm>>
      tpu.enqueue_indirect_dma source(%dma_start3A_355 : memref<2000000x64xf32, #tpu.memory_space<hbm>>) target(%arg8 : memref<128x64xf32, #tpu.memory_space<vmem>>) offsets(%dma_start3A_352 : memref<128xi32, #tpu.memory_space<vmem>>) semaphore(%arg16 : memref<!tpu.dma_semaphore, #tpu.memory_space<semaphore_mem>>)
      %gt3A_356 = arith.constant 0 : i32
      %gt3A_357 = arith.cmpi sgt, %scan3A_190, %gt3A_356 : i32
      %convert_element_type3A_358 = arith.extui %gt3A_357 : i1 to i32
      %cond3A_359 = arith.constant 0 : i32
      %cond3A_360 = arith.cmpi ne, %convert_element_type3A_358, %cond3A_359 : i32
      scf.if %cond3A_360 {
        %sub3A_765 = arith.constant 8 : i32
        %sub3A_766 = arith.subi %add3A_303, %sub3A_765 : i32
        %add3A_767 = arith.constant 1 : i32
        %add3A_768 = arith.addi %sub3A_766, %add3A_767 : i32
        %jit3A_769 = arith.constant 4 : i32
        %div3A_770 = arith.divsi %add3A_768, %jit3A_769 : i32
        %sign3A_771 = arith.constant 0 : i32
        %sign3A_772 = arith.cmpi sgt, %add3A_768, %sign3A_771 : i32
        %sign3A_773 = arith.extui %sign3A_772 : i1 to i32
        %sign3A_774 = arith.constant 0 : i32
        %sign3A_775 = arith.cmpi slt, %add3A_768, %sign3A_774 : i32
        %sign3A_776 = arith.extui %sign3A_775 : i1 to i32
        %sign3A_777 = arith.subi %sign3A_773, %sign3A_776 : i32
        %sign3A_778 = arith.constant 0 : i32
        %sign3A_779 = arith.cmpi sgt, %jit3A_769, %sign3A_778 : i32
        %sign3A_780 = arith.extui %sign3A_779 : i1 to i32
        %sign3A_781 = arith.constant 0 : i32
        %sign3A_782 = arith.cmpi slt, %jit3A_769, %sign3A_781 : i32
        %sign3A_783 = arith.extui %sign3A_782 : i1 to i32
        %sign3A_784 = arith.subi %sign3A_780, %sign3A_783 : i32
        %ne3A_785 = arith.cmpi ne, %sign3A_777, %sign3A_784 : i32
        %rem3A_786 = arith.remsi %add3A_768, %jit3A_769 : i32
        %ne3A_787 = arith.constant 0 : i32
        %ne3A_788 = arith.cmpi ne, %rem3A_786, %ne3A_787 : i32
        %and3A_789 = arith.andi %ne3A_785, %ne3A_788 : i1
        %sub3A_790 = arith.constant 1 : i32
        %sub3A_791 = arith.subi %div3A_770, %sub3A_790 : i32
        %select_n3A_792 = arith.select %and3A_789, %sub3A_791, %div3A_770 : i32
        %jit3A_793 = arith.constant 4 : i32
        %eq3A_794 = arith.constant 0 : i32
        %eq3A_795 = arith.cmpi eq, %jit3A_793, %eq3A_794 : i32
        %jit3A_796 = arith.constant 1 : i32
        %select_n3A_797 = arith.select %eq3A_795, %jit3A_796, %jit3A_793 : i32
        %rem3A_798 = arith.remsi %add3A_768, %select_n3A_797 : i32
        %ne3A_799 = arith.constant 0 : i32
        %ne3A_800 = arith.cmpi ne, %rem3A_798, %ne3A_799 : i32
        %lt3A_801 = arith.constant 0 : i32
        %lt3A_802 = arith.cmpi slt, %rem3A_798, %lt3A_801 : i32
        %lt3A_803 = arith.constant 0 : i32
        %lt3A_804 = arith.cmpi slt, %select_n3A_797, %lt3A_803 : i32
        %ne3A_805 = arith.xori %lt3A_802, %lt3A_804 : i1
        %and3A_806 = arith.andi %ne3A_805, %ne3A_800 : i1
        %add3A_807 = arith.addi %rem3A_798, %select_n3A_797 : i32
        %select_n3A_808 = arith.select %and3A_806, %add3A_807, %rem3A_798 : i32
        %mul3A_809 = arith.constant 128 : i32
        %mul3A_810 = arith.muli %select_n3A_808, %mul3A_809 : i32
        %dma_wait3A_811 = tpu.memref_slice %arg5[%select_n3A_792, %mul3A_810] : memref<50x512xi32, #tpu.memory_space<vmem>> -> memref<1x128xi32, #tpu.memory_space<vmem>>
        %dma_wait3A_812 = tpu.memref_squeeze %dma_wait3A_811 : memref<1x128xi32, #tpu.memory_space<vmem>> -> memref<128xi32, #tpu.memory_space<vmem>>
        %dma_wait3A_813 = arith.constant 0 : i32
        %dma_wait3A_814 = arith.constant 0 : i32
        %dma_wait3A_815 = tpu.memref_slice %arg3[%dma_wait3A_813, %dma_wait3A_814] : memref<2000000x64xf32, #tpu.memory_space<hbm>> -> memref<2000000x64xf32, #tpu.memory_space<hbm>>
        tpu.wait_indirect_dma semaphore(%arg17 : memref<!tpu.dma_semaphore, #tpu.memory_space<semaphore_mem>>) src(%dma_wait3A_815 : memref<2000000x64xf32, #tpu.memory_space<hbm>>) dst(%arg9 : memref<128x64xf32, #tpu.memory_space<vmem>>)
        %sub3A_816 = arith.constant 8 : i32
        %sub3A_817 = arith.subi %add3A_303, %sub3A_816 : i32
        %add3A_818 = arith.constant 1 : i32
        %add3A_819 = arith.addi %sub3A_817, %add3A_818 : i32
        %jit3A_820 = arith.constant 4 : i32
        %div3A_821 = arith.divsi %add3A_819, %jit3A_820 : i32
        %sign3A_822 = arith.constant 0 : i32
        %sign3A_823 = arith.cmpi sgt, %add3A_819, %sign3A_822 : i32
        %sign3A_824 = arith.extui %sign3A_823 : i1 to i32
        %sign3A_825 = arith.constant 0 : i32
        %sign3A_826 = arith.cmpi slt, %add3A_819, %sign3A_825 : i32
        %sign3A_827 = arith.extui %sign3A_826 : i1 to i32
        %sign3A_828 = arith.subi %sign3A_824, %sign3A_827 : i32
        %sign3A_829 = arith.constant 0 : i32
        %sign3A_830 = arith.cmpi sgt, %jit3A_820, %sign3A_829 : i32
        %sign3A_831 = arith.extui %sign3A_830 : i1 to i32
        %sign3A_832 = arith.constant 0 : i32
        %sign3A_833 = arith.cmpi slt, %jit3A_820, %sign3A_832 : i32
        %sign3A_834 = arith.extui %sign3A_833 : i1 to i32
        %sign3A_835 = arith.subi %sign3A_831, %sign3A_834 : i32
        %ne3A_836 = arith.cmpi ne, %sign3A_828, %sign3A_835 : i32
        %rem3A_837 = arith.remsi %add3A_819, %jit3A_820 : i32
        %ne3A_838 = arith.constant 0 : i32
        %ne3A_839 = arith.cmpi ne, %rem3A_837, %ne3A_838 : i32
        %and3A_840 = arith.andi %ne3A_836, %ne3A_839 : i1
        %sub3A_841 = arith.constant 1 : i32
        %sub3A_842 = arith.subi %div3A_821, %sub3A_841 : i32
        %select_n3A_843 = arith.select %and3A_840, %sub3A_842, %div3A_821 : i32
        %jit3A_844 = arith.constant 4 : i32
        %eq3A_845 = arith.constant 0 : i32
        %eq3A_846 = arith.cmpi eq, %jit3A_844, %eq3A_845 : i32
        %jit3A_847 = arith.constant 1 : i32
        %select_n3A_848 = arith.select %eq3A_846, %jit3A_847, %jit3A_844 : i32
        %rem3A_849 = arith.remsi %add3A_819, %select_n3A_848 : i32
        %ne3A_850 = arith.constant 0 : i32
        %ne3A_851 = arith.cmpi ne, %rem3A_849, %ne3A_850 : i32
        %lt3A_852 = arith.constant 0 : i32
        %lt3A_853 = arith.cmpi slt, %rem3A_849, %lt3A_852 : i32
        %lt3A_854 = arith.constant 0 : i32
        %lt3A_855 = arith.cmpi slt, %select_n3A_848, %lt3A_854 : i32
        %ne3A_856 = arith.xori %lt3A_853, %lt3A_855 : i1
        %and3A_857 = arith.andi %ne3A_856, %ne3A_851 : i1
        %add3A_858 = arith.addi %rem3A_849, %select_n3A_848 : i32
        %select_n3A_859 = arith.select %and3A_857, %add3A_858, %rem3A_849 : i32
        %mul3A_860 = arith.constant 128 : i32
        %mul3A_861 = arith.muli %select_n3A_859, %mul3A_860 : i32
        %add3A_862 = arith.addi %mul3A_2, %mul3A_861 : i32
        %dma_start3A_863 = arith.constant 0 : i32
        %dma_start3A_864 = tpu.memref_slice %arg4[%select_n3A_843, %add3A_862, %dma_start3A_863] : memref<50x16384x64xf32, #tpu.memory_space<hbm>> -> memref<1x128x64xf32, #tpu.memory_space<hbm>>
        %dma_start3A_865 = tpu.memref_squeeze %dma_start3A_864 : memref<1x128x64xf32, #tpu.memory_space<hbm>> -> memref<128x64xf32, #tpu.memory_space<hbm>>
        %dma_start3A_866 = arith.constant 0 : i32
        %dma_start3A_867 = tpu.memref_slice %arg4[%select_n3A_843, %add3A_862, %dma_start3A_866] : memref<50x16384x64xf32, #tpu.memory_space<hbm>> -> memref<1x128x64xf32, #tpu.memory_space<hbm>>
        %dma_start3A_868 = tpu.memref_squeeze %dma_start3A_867 : memref<1x128x64xf32, #tpu.memory_space<hbm>> -> memref<128x64xf32, #tpu.memory_space<hbm>>
        tpu.enqueue_dma source(%arg9 : memref<128x64xf32, #tpu.memory_space<vmem>>) target(%dma_start3A_868 : memref<128x64xf32, #tpu.memory_space<hbm>>) target_semaphore(%arg25 : memref<!tpu.dma_semaphore, #tpu.memory_space<semaphore_mem>>)
      } else {
      }
      %mul3A_361 = arith.constant 8 : i32
      %mul3A_362 = arith.muli %scan3A_190, %mul3A_361 : i32
      %add3A_363 = arith.constant 3 : i32
      %add3A_364 = arith.addi %mul3A_362, %add3A_363 : i32
      %gt3A_365 = arith.constant 0 : i32
      %gt3A_366 = arith.cmpi sgt, %scan3A_190, %gt3A_365 : i32
      %convert_element_type3A_367 = arith.extui %gt3A_366 : i1 to i32
      %cond3A_368 = arith.constant 0 : i32
      %cond3A_369 = arith.cmpi ne, %convert_element_type3A_367, %cond3A_368 : i32
      scf.if %cond3A_369 {
        %sub3A_765 = arith.constant 8 : i32
        %sub3A_766 = arith.subi %add3A_364, %sub3A_765 : i32
        %jit3A_767 = arith.constant 4 : i32
        %div3A_768 = arith.divsi %sub3A_766, %jit3A_767 : i32
        %sign3A_769 = arith.constant 0 : i32
        %sign3A_770 = arith.cmpi sgt, %sub3A_766, %sign3A_769 : i32
        %sign3A_771 = arith.extui %sign3A_770 : i1 to i32
        %sign3A_772 = arith.constant 0 : i32
        %sign3A_773 = arith.cmpi slt, %sub3A_766, %sign3A_772 : i32
        %sign3A_774 = arith.extui %sign3A_773 : i1 to i32
        %sign3A_775 = arith.subi %sign3A_771, %sign3A_774 : i32
        %sign3A_776 = arith.constant 0 : i32
        %sign3A_777 = arith.cmpi sgt, %jit3A_767, %sign3A_776 : i32
        %sign3A_778 = arith.extui %sign3A_777 : i1 to i32
        %sign3A_779 = arith.constant 0 : i32
        %sign3A_780 = arith.cmpi slt, %jit3A_767, %sign3A_779 : i32
        %sign3A_781 = arith.extui %sign3A_780 : i1 to i32
        %sign3A_782 = arith.subi %sign3A_778, %sign3A_781 : i32
        %ne3A_783 = arith.cmpi ne, %sign3A_775, %sign3A_782 : i32
        %rem3A_784 = arith.remsi %sub3A_766, %jit3A_767 : i32
        %ne3A_785 = arith.constant 0 : i32
        %ne3A_786 = arith.cmpi ne, %rem3A_784, %ne3A_785 : i32
        %and3A_787 = arith.andi %ne3A_783, %ne3A_786 : i1
        %sub3A_788 = arith.constant 1 : i32
        %sub3A_789 = arith.subi %div3A_768, %sub3A_788 : i32
        %select_n3A_790 = arith.select %and3A_787, %sub3A_789, %div3A_768 : i32
        %jit3A_791 = arith.constant 4 : i32
        %eq3A_792 = arith.constant 0 : i32
        %eq3A_793 = arith.cmpi eq, %jit3A_791, %eq3A_792 : i32
        %jit3A_794 = arith.constant 1 : i32
        %select_n3A_795 = arith.select %eq3A_793, %jit3A_794, %jit3A_791 : i32
        %rem3A_796 = arith.remsi %sub3A_766, %select_n3A_795 : i32
        %ne3A_797 = arith.constant 0 : i32
        %ne3A_798 = arith.cmpi ne, %rem3A_796, %ne3A_797 : i32
        %lt3A_799 = arith.constant 0 : i32
        %lt3A_800 = arith.cmpi slt, %rem3A_796, %lt3A_799 : i32
        %lt3A_801 = arith.constant 0 : i32
        %lt3A_802 = arith.cmpi slt, %select_n3A_795, %lt3A_801 : i32
        %ne3A_803 = arith.xori %lt3A_800, %lt3A_802 : i1
        %and3A_804 = arith.andi %ne3A_803, %ne3A_798 : i1
        %add3A_805 = arith.addi %rem3A_796, %select_n3A_795 : i32
        %select_n3A_806 = arith.select %and3A_804, %add3A_805, %rem3A_796 : i32
        %mul3A_807 = arith.constant 128 : i32
        %mul3A_808 = arith.muli %select_n3A_806, %mul3A_807 : i32
        %add3A_809 = arith.addi %mul3A_2, %mul3A_808 : i32
        %dma_wait3A_810 = arith.constant 0 : i32
        %dma_wait3A_811 = tpu.memref_slice %arg4[%select_n3A_790, %add3A_809, %dma_wait3A_810] : memref<50x16384x64xf32, #tpu.memory_space<hbm>> -> memref<1x128x64xf32, #tpu.memory_space<hbm>>
        %dma_wait3A_812 = tpu.memref_squeeze %dma_wait3A_811 : memref<1x128x64xf32, #tpu.memory_space<hbm>> -> memref<128x64xf32, #tpu.memory_space<hbm>>
        %dma_wait3A_813 = arith.constant 0 : i32
        %dma_wait3A_814 = tpu.memref_slice %arg4[%select_n3A_790, %add3A_809, %dma_wait3A_813] : memref<50x16384x64xf32, #tpu.memory_space<hbm>> -> memref<1x128x64xf32, #tpu.memory_space<hbm>>
        %dma_wait3A_815 = tpu.memref_squeeze %dma_wait3A_814 : memref<1x128x64xf32, #tpu.memory_space<hbm>> -> memref<128x64xf32, #tpu.memory_space<hbm>>
        tpu.wait_dma2 semaphore(%arg25 : memref<!tpu.dma_semaphore, #tpu.memory_space<semaphore_mem>>) src(%arg9 : memref<128x64xf32, #tpu.memory_space<vmem>>) dst(%dma_wait3A_815 : memref<128x64xf32, #tpu.memory_space<hbm>>)
      } else {
      }
      %jit3A_370 = arith.constant 4 : i32
      %div3A_371 = arith.divsi %add3A_364, %jit3A_370 : i32
      %sign3A_372 = arith.constant 0 : i32
      %sign3A_373 = arith.cmpi sgt, %add3A_364, %sign3A_372 : i32
      %sign3A_374 = arith.extui %sign3A_373 : i1 to i32
      %sign3A_375 = arith.constant 0 : i32
      %sign3A_376 = arith.cmpi slt, %add3A_364, %sign3A_375 : i32
      %sign3A_377 = arith.extui %sign3A_376 : i1 to i32
      %sign3A_378 = arith.subi %sign3A_374, %sign3A_377 : i32
      %sign3A_379 = arith.constant 0 : i32
      %sign3A_380 = arith.cmpi sgt, %jit3A_370, %sign3A_379 : i32
      %sign3A_381 = arith.extui %sign3A_380 : i1 to i32
      %sign3A_382 = arith.constant 0 : i32
      %sign3A_383 = arith.cmpi slt, %jit3A_370, %sign3A_382 : i32
      %sign3A_384 = arith.extui %sign3A_383 : i1 to i32
      %sign3A_385 = arith.subi %sign3A_381, %sign3A_384 : i32
      %ne3A_386 = arith.cmpi ne, %sign3A_378, %sign3A_385 : i32
      %rem3A_387 = arith.remsi %add3A_364, %jit3A_370 : i32
      %ne3A_388 = arith.constant 0 : i32
      %ne3A_389 = arith.cmpi ne, %rem3A_387, %ne3A_388 : i32
      %and3A_390 = arith.andi %ne3A_386, %ne3A_389 : i1
      %sub3A_391 = arith.constant 1 : i32
      %sub3A_392 = arith.subi %div3A_371, %sub3A_391 : i32
      %select_n3A_393 = arith.select %and3A_390, %sub3A_392, %div3A_371 : i32
      %jit3A_394 = arith.constant 4 : i32
      %eq3A_395 = arith.constant 0 : i32
      %eq3A_396 = arith.cmpi eq, %jit3A_394, %eq3A_395 : i32
      %jit3A_397 = arith.constant 1 : i32
      %select_n3A_398 = arith.select %eq3A_396, %jit3A_397, %jit3A_394 : i32
      %rem3A_399 = arith.remsi %add3A_364, %select_n3A_398 : i32
      %ne3A_400 = arith.constant 0 : i32
      %ne3A_401 = arith.cmpi ne, %rem3A_399, %ne3A_400 : i32
      %lt3A_402 = arith.constant 0 : i32
      %lt3A_403 = arith.cmpi slt, %rem3A_399, %lt3A_402 : i32
      %lt3A_404 = arith.constant 0 : i32
      %lt3A_405 = arith.cmpi slt, %select_n3A_398, %lt3A_404 : i32
      %ne3A_406 = arith.xori %lt3A_403, %lt3A_405 : i1
      %and3A_407 = arith.andi %ne3A_406, %ne3A_401 : i1
      %add3A_408 = arith.addi %rem3A_399, %select_n3A_398 : i32
      %select_n3A_409 = arith.select %and3A_407, %add3A_408, %rem3A_399 : i32
      %mul3A_410 = arith.constant 128 : i32
      %mul3A_411 = arith.muli %select_n3A_409, %mul3A_410 : i32
      %dma_start3A_412 = tpu.memref_slice %arg5[%select_n3A_393, %mul3A_411] : memref<50x512xi32, #tpu.memory_space<vmem>> -> memref<1x128xi32, #tpu.memory_space<vmem>>
      %dma_start3A_413 = tpu.memref_squeeze %dma_start3A_412 : memref<1x128xi32, #tpu.memory_space<vmem>> -> memref<128xi32, #tpu.memory_space<vmem>>
      %dma_start3A_414 = arith.constant 0 : i32
      %dma_start3A_415 = arith.constant 0 : i32
      %dma_start3A_416 = tpu.memref_slice %arg3[%dma_start3A_414, %dma_start3A_415] : memref<2000000x64xf32, #tpu.memory_space<hbm>> -> memref<2000000x64xf32, #tpu.memory_space<hbm>>
      tpu.enqueue_indirect_dma source(%dma_start3A_416 : memref<2000000x64xf32, #tpu.memory_space<hbm>>) target(%arg9 : memref<128x64xf32, #tpu.memory_space<vmem>>) offsets(%dma_start3A_413 : memref<128xi32, #tpu.memory_space<vmem>>) semaphore(%arg17 : memref<!tpu.dma_semaphore, #tpu.memory_space<semaphore_mem>>)
      %gt3A_417 = arith.constant 0 : i32
      %gt3A_418 = arith.cmpi sgt, %scan3A_190, %gt3A_417 : i32
      %convert_element_type3A_419 = arith.extui %gt3A_418 : i1 to i32
      %cond3A_420 = arith.constant 0 : i32
      %cond3A_421 = arith.cmpi ne, %convert_element_type3A_419, %cond3A_420 : i32
      scf.if %cond3A_421 {
        %sub3A_765 = arith.constant 8 : i32
        %sub3A_766 = arith.subi %add3A_364, %sub3A_765 : i32
        %add3A_767 = arith.constant 1 : i32
        %add3A_768 = arith.addi %sub3A_766, %add3A_767 : i32
        %jit3A_769 = arith.constant 4 : i32
        %div3A_770 = arith.divsi %add3A_768, %jit3A_769 : i32
        %sign3A_771 = arith.constant 0 : i32
        %sign3A_772 = arith.cmpi sgt, %add3A_768, %sign3A_771 : i32
        %sign3A_773 = arith.extui %sign3A_772 : i1 to i32
        %sign3A_774 = arith.constant 0 : i32
        %sign3A_775 = arith.cmpi slt, %add3A_768, %sign3A_774 : i32
        %sign3A_776 = arith.extui %sign3A_775 : i1 to i32
        %sign3A_777 = arith.subi %sign3A_773, %sign3A_776 : i32
        %sign3A_778 = arith.constant 0 : i32
        %sign3A_779 = arith.cmpi sgt, %jit3A_769, %sign3A_778 : i32
        %sign3A_780 = arith.extui %sign3A_779 : i1 to i32
        %sign3A_781 = arith.constant 0 : i32
        %sign3A_782 = arith.cmpi slt, %jit3A_769, %sign3A_781 : i32
        %sign3A_783 = arith.extui %sign3A_782 : i1 to i32
        %sign3A_784 = arith.subi %sign3A_780, %sign3A_783 : i32
        %ne3A_785 = arith.cmpi ne, %sign3A_777, %sign3A_784 : i32
        %rem3A_786 = arith.remsi %add3A_768, %jit3A_769 : i32
        %ne3A_787 = arith.constant 0 : i32
        %ne3A_788 = arith.cmpi ne, %rem3A_786, %ne3A_787 : i32
        %and3A_789 = arith.andi %ne3A_785, %ne3A_788 : i1
        %sub3A_790 = arith.constant 1 : i32
        %sub3A_791 = arith.subi %div3A_770, %sub3A_790 : i32
        %select_n3A_792 = arith.select %and3A_789, %sub3A_791, %div3A_770 : i32
        %jit3A_793 = arith.constant 4 : i32
        %eq3A_794 = arith.constant 0 : i32
        %eq3A_795 = arith.cmpi eq, %jit3A_793, %eq3A_794 : i32
        %jit3A_796 = arith.constant 1 : i32
        %select_n3A_797 = arith.select %eq3A_795, %jit3A_796, %jit3A_793 : i32
        %rem3A_798 = arith.remsi %add3A_768, %select_n3A_797 : i32
        %ne3A_799 = arith.constant 0 : i32
        %ne3A_800 = arith.cmpi ne, %rem3A_798, %ne3A_799 : i32
        %lt3A_801 = arith.constant 0 : i32
        %lt3A_802 = arith.cmpi slt, %rem3A_798, %lt3A_801 : i32
        %lt3A_803 = arith.constant 0 : i32
        %lt3A_804 = arith.cmpi slt, %select_n3A_797, %lt3A_803 : i32
        %ne3A_805 = arith.xori %lt3A_802, %lt3A_804 : i1
        %and3A_806 = arith.andi %ne3A_805, %ne3A_800 : i1
        %add3A_807 = arith.addi %rem3A_798, %select_n3A_797 : i32
        %select_n3A_808 = arith.select %and3A_806, %add3A_807, %rem3A_798 : i32
        %mul3A_809 = arith.constant 128 : i32
        %mul3A_810 = arith.muli %select_n3A_808, %mul3A_809 : i32
        %dma_wait3A_811 = tpu.memref_slice %arg5[%select_n3A_792, %mul3A_810] : memref<50x512xi32, #tpu.memory_space<vmem>> -> memref<1x128xi32, #tpu.memory_space<vmem>>
        %dma_wait3A_812 = tpu.memref_squeeze %dma_wait3A_811 : memref<1x128xi32, #tpu.memory_space<vmem>> -> memref<128xi32, #tpu.memory_space<vmem>>
        %dma_wait3A_813 = arith.constant 0 : i32
        %dma_wait3A_814 = arith.constant 0 : i32
        %dma_wait3A_815 = tpu.memref_slice %arg3[%dma_wait3A_813, %dma_wait3A_814] : memref<2000000x64xf32, #tpu.memory_space<hbm>> -> memref<2000000x64xf32, #tpu.memory_space<hbm>>
        tpu.wait_indirect_dma semaphore(%arg18 : memref<!tpu.dma_semaphore, #tpu.memory_space<semaphore_mem>>) src(%dma_wait3A_815 : memref<2000000x64xf32, #tpu.memory_space<hbm>>) dst(%arg10 : memref<128x64xf32, #tpu.memory_space<vmem>>)
        %sub3A_816 = arith.constant 8 : i32
        %sub3A_817 = arith.subi %add3A_364, %sub3A_816 : i32
        %add3A_818 = arith.constant 1 : i32
        %add3A_819 = arith.addi %sub3A_817, %add3A_818 : i32
        %jit3A_820 = arith.constant 4 : i32
        %div3A_821 = arith.divsi %add3A_819, %jit3A_820 : i32
        %sign3A_822 = arith.constant 0 : i32
        %sign3A_823 = arith.cmpi sgt, %add3A_819, %sign3A_822 : i32
        %sign3A_824 = arith.extui %sign3A_823 : i1 to i32
        %sign3A_825 = arith.constant 0 : i32
        %sign3A_826 = arith.cmpi slt, %add3A_819, %sign3A_825 : i32
        %sign3A_827 = arith.extui %sign3A_826 : i1 to i32
        %sign3A_828 = arith.subi %sign3A_824, %sign3A_827 : i32
        %sign3A_829 = arith.constant 0 : i32
        %sign3A_830 = arith.cmpi sgt, %jit3A_820, %sign3A_829 : i32
        %sign3A_831 = arith.extui %sign3A_830 : i1 to i32
        %sign3A_832 = arith.constant 0 : i32
        %sign3A_833 = arith.cmpi slt, %jit3A_820, %sign3A_832 : i32
        %sign3A_834 = arith.extui %sign3A_833 : i1 to i32
        %sign3A_835 = arith.subi %sign3A_831, %sign3A_834 : i32
        %ne3A_836 = arith.cmpi ne, %sign3A_828, %sign3A_835 : i32
        %rem3A_837 = arith.remsi %add3A_819, %jit3A_820 : i32
        %ne3A_838 = arith.constant 0 : i32
        %ne3A_839 = arith.cmpi ne, %rem3A_837, %ne3A_838 : i32
        %and3A_840 = arith.andi %ne3A_836, %ne3A_839 : i1
        %sub3A_841 = arith.constant 1 : i32
        %sub3A_842 = arith.subi %div3A_821, %sub3A_841 : i32
        %select_n3A_843 = arith.select %and3A_840, %sub3A_842, %div3A_821 : i32
        %jit3A_844 = arith.constant 4 : i32
        %eq3A_845 = arith.constant 0 : i32
        %eq3A_846 = arith.cmpi eq, %jit3A_844, %eq3A_845 : i32
        %jit3A_847 = arith.constant 1 : i32
        %select_n3A_848 = arith.select %eq3A_846, %jit3A_847, %jit3A_844 : i32
        %rem3A_849 = arith.remsi %add3A_819, %select_n3A_848 : i32
        %ne3A_850 = arith.constant 0 : i32
        %ne3A_851 = arith.cmpi ne, %rem3A_849, %ne3A_850 : i32
        %lt3A_852 = arith.constant 0 : i32
        %lt3A_853 = arith.cmpi slt, %rem3A_849, %lt3A_852 : i32
        %lt3A_854 = arith.constant 0 : i32
        %lt3A_855 = arith.cmpi slt, %select_n3A_848, %lt3A_854 : i32
        %ne3A_856 = arith.xori %lt3A_853, %lt3A_855 : i1
        %and3A_857 = arith.andi %ne3A_856, %ne3A_851 : i1
        %add3A_858 = arith.addi %rem3A_849, %select_n3A_848 : i32
        %select_n3A_859 = arith.select %and3A_857, %add3A_858, %rem3A_849 : i32
        %mul3A_860 = arith.constant 128 : i32
        %mul3A_861 = arith.muli %select_n3A_859, %mul3A_860 : i32
        %add3A_862 = arith.addi %mul3A_2, %mul3A_861 : i32
        %dma_start3A_863 = arith.constant 0 : i32
        %dma_start3A_864 = tpu.memref_slice %arg4[%select_n3A_843, %add3A_862, %dma_start3A_863] : memref<50x16384x64xf32, #tpu.memory_space<hbm>> -> memref<1x128x64xf32, #tpu.memory_space<hbm>>
        %dma_start3A_865 = tpu.memref_squeeze %dma_start3A_864 : memref<1x128x64xf32, #tpu.memory_space<hbm>> -> memref<128x64xf32, #tpu.memory_space<hbm>>
        %dma_start3A_866 = arith.constant 0 : i32
        %dma_start3A_867 = tpu.memref_slice %arg4[%select_n3A_843, %add3A_862, %dma_start3A_866] : memref<50x16384x64xf32, #tpu.memory_space<hbm>> -> memref<1x128x64xf32, #tpu.memory_space<hbm>>
        %dma_start3A_868 = tpu.memref_squeeze %dma_start3A_867 : memref<1x128x64xf32, #tpu.memory_space<hbm>> -> memref<128x64xf32, #tpu.memory_space<hbm>>
        tpu.enqueue_dma source(%arg10 : memref<128x64xf32, #tpu.memory_space<vmem>>) target(%dma_start3A_868 : memref<128x64xf32, #tpu.memory_space<hbm>>) target_semaphore(%arg26 : memref<!tpu.dma_semaphore, #tpu.memory_space<semaphore_mem>>)
      } else {
      }
      %mul3A_422 = arith.constant 8 : i32
      %mul3A_423 = arith.muli %scan3A_190, %mul3A_422 : i32
      %add3A_424 = arith.constant 4 : i32
      %add3A_425 = arith.addi %mul3A_423, %add3A_424 : i32
      %gt3A_426 = arith.constant 0 : i32
      %gt3A_427 = arith.cmpi sgt, %scan3A_190, %gt3A_426 : i32
      %convert_element_type3A_428 = arith.extui %gt3A_427 : i1 to i32
      %cond3A_429 = arith.constant 0 : i32
      %cond3A_430 = arith.cmpi ne, %convert_element_type3A_428, %cond3A_429 : i32
      scf.if %cond3A_430 {
        %sub3A_765 = arith.constant 8 : i32
        %sub3A_766 = arith.subi %add3A_425, %sub3A_765 : i32
        %jit3A_767 = arith.constant 4 : i32
        %div3A_768 = arith.divsi %sub3A_766, %jit3A_767 : i32
        %sign3A_769 = arith.constant 0 : i32
        %sign3A_770 = arith.cmpi sgt, %sub3A_766, %sign3A_769 : i32
        %sign3A_771 = arith.extui %sign3A_770 : i1 to i32
        %sign3A_772 = arith.constant 0 : i32
        %sign3A_773 = arith.cmpi slt, %sub3A_766, %sign3A_772 : i32
        %sign3A_774 = arith.extui %sign3A_773 : i1 to i32
        %sign3A_775 = arith.subi %sign3A_771, %sign3A_774 : i32
        %sign3A_776 = arith.constant 0 : i32
        %sign3A_777 = arith.cmpi sgt, %jit3A_767, %sign3A_776 : i32
        %sign3A_778 = arith.extui %sign3A_777 : i1 to i32
        %sign3A_779 = arith.constant 0 : i32
        %sign3A_780 = arith.cmpi slt, %jit3A_767, %sign3A_779 : i32
        %sign3A_781 = arith.extui %sign3A_780 : i1 to i32
        %sign3A_782 = arith.subi %sign3A_778, %sign3A_781 : i32
        %ne3A_783 = arith.cmpi ne, %sign3A_775, %sign3A_782 : i32
        %rem3A_784 = arith.remsi %sub3A_766, %jit3A_767 : i32
        %ne3A_785 = arith.constant 0 : i32
        %ne3A_786 = arith.cmpi ne, %rem3A_784, %ne3A_785 : i32
        %and3A_787 = arith.andi %ne3A_783, %ne3A_786 : i1
        %sub3A_788 = arith.constant 1 : i32
        %sub3A_789 = arith.subi %div3A_768, %sub3A_788 : i32
        %select_n3A_790 = arith.select %and3A_787, %sub3A_789, %div3A_768 : i32
        %jit3A_791 = arith.constant 4 : i32
        %eq3A_792 = arith.constant 0 : i32
        %eq3A_793 = arith.cmpi eq, %jit3A_791, %eq3A_792 : i32
        %jit3A_794 = arith.constant 1 : i32
        %select_n3A_795 = arith.select %eq3A_793, %jit3A_794, %jit3A_791 : i32
        %rem3A_796 = arith.remsi %sub3A_766, %select_n3A_795 : i32
        %ne3A_797 = arith.constant 0 : i32
        %ne3A_798 = arith.cmpi ne, %rem3A_796, %ne3A_797 : i32
        %lt3A_799 = arith.constant 0 : i32
        %lt3A_800 = arith.cmpi slt, %rem3A_796, %lt3A_799 : i32
        %lt3A_801 = arith.constant 0 : i32
        %lt3A_802 = arith.cmpi slt, %select_n3A_795, %lt3A_801 : i32
        %ne3A_803 = arith.xori %lt3A_800, %lt3A_802 : i1
        %and3A_804 = arith.andi %ne3A_803, %ne3A_798 : i1
        %add3A_805 = arith.addi %rem3A_796, %select_n3A_795 : i32
        %select_n3A_806 = arith.select %and3A_804, %add3A_805, %rem3A_796 : i32
        %mul3A_807 = arith.constant 128 : i32
        %mul3A_808 = arith.muli %select_n3A_806, %mul3A_807 : i32
        %add3A_809 = arith.addi %mul3A_2, %mul3A_808 : i32
        %dma_wait3A_810 = arith.constant 0 : i32
        %dma_wait3A_811 = tpu.memref_slice %arg4[%select_n3A_790, %add3A_809, %dma_wait3A_810] : memref<50x16384x64xf32, #tpu.memory_space<hbm>> -> memref<1x128x64xf32, #tpu.memory_space<hbm>>
        %dma_wait3A_812 = tpu.memref_squeeze %dma_wait3A_811 : memref<1x128x64xf32, #tpu.memory_space<hbm>> -> memref<128x64xf32, #tpu.memory_space<hbm>>
        %dma_wait3A_813 = arith.constant 0 : i32
        %dma_wait3A_814 = tpu.memref_slice %arg4[%select_n3A_790, %add3A_809, %dma_wait3A_813] : memref<50x16384x64xf32, #tpu.memory_space<hbm>> -> memref<1x128x64xf32, #tpu.memory_space<hbm>>
        %dma_wait3A_815 = tpu.memref_squeeze %dma_wait3A_814 : memref<1x128x64xf32, #tpu.memory_space<hbm>> -> memref<128x64xf32, #tpu.memory_space<hbm>>
        tpu.wait_dma2 semaphore(%arg26 : memref<!tpu.dma_semaphore, #tpu.memory_space<semaphore_mem>>) src(%arg10 : memref<128x64xf32, #tpu.memory_space<vmem>>) dst(%dma_wait3A_815 : memref<128x64xf32, #tpu.memory_space<hbm>>)
      } else {
      }
      %jit3A_431 = arith.constant 4 : i32
      %div3A_432 = arith.divsi %add3A_425, %jit3A_431 : i32
      %sign3A_433 = arith.constant 0 : i32
      %sign3A_434 = arith.cmpi sgt, %add3A_425, %sign3A_433 : i32
      %sign3A_435 = arith.extui %sign3A_434 : i1 to i32
      %sign3A_436 = arith.constant 0 : i32
      %sign3A_437 = arith.cmpi slt, %add3A_425, %sign3A_436 : i32
      %sign3A_438 = arith.extui %sign3A_437 : i1 to i32
      %sign3A_439 = arith.subi %sign3A_435, %sign3A_438 : i32
      %sign3A_440 = arith.constant 0 : i32
      %sign3A_441 = arith.cmpi sgt, %jit3A_431, %sign3A_440 : i32
      %sign3A_442 = arith.extui %sign3A_441 : i1 to i32
      %sign3A_443 = arith.constant 0 : i32
      %sign3A_444 = arith.cmpi slt, %jit3A_431, %sign3A_443 : i32
      %sign3A_445 = arith.extui %sign3A_444 : i1 to i32
      %sign3A_446 = arith.subi %sign3A_442, %sign3A_445 : i32
      %ne3A_447 = arith.cmpi ne, %sign3A_439, %sign3A_446 : i32
      %rem3A_448 = arith.remsi %add3A_425, %jit3A_431 : i32
      %ne3A_449 = arith.constant 0 : i32
      %ne3A_450 = arith.cmpi ne, %rem3A_448, %ne3A_449 : i32
      %and3A_451 = arith.andi %ne3A_447, %ne3A_450 : i1
      %sub3A_452 = arith.constant 1 : i32
      %sub3A_453 = arith.subi %div3A_432, %sub3A_452 : i32
      %select_n3A_454 = arith.select %and3A_451, %sub3A_453, %div3A_432 : i32
      %jit3A_455 = arith.constant 4 : i32
      %eq3A_456 = arith.constant 0 : i32
      %eq3A_457 = arith.cmpi eq, %jit3A_455, %eq3A_456 : i32
      %jit3A_458 = arith.constant 1 : i32
      %select_n3A_459 = arith.select %eq3A_457, %jit3A_458, %jit3A_455 : i32
      %rem3A_460 = arith.remsi %add3A_425, %select_n3A_459 : i32
      %ne3A_461 = arith.constant 0 : i32
      %ne3A_462 = arith.cmpi ne, %rem3A_460, %ne3A_461 : i32
      %lt3A_463 = arith.constant 0 : i32
      %lt3A_464 = arith.cmpi slt, %rem3A_460, %lt3A_463 : i32
      %lt3A_465 = arith.constant 0 : i32
      %lt3A_466 = arith.cmpi slt, %select_n3A_459, %lt3A_465 : i32
      %ne3A_467 = arith.xori %lt3A_464, %lt3A_466 : i1
      %and3A_468 = arith.andi %ne3A_467, %ne3A_462 : i1
      %add3A_469 = arith.addi %rem3A_460, %select_n3A_459 : i32
      %select_n3A_470 = arith.select %and3A_468, %add3A_469, %rem3A_460 : i32
      %mul3A_471 = arith.constant 128 : i32
      %mul3A_472 = arith.muli %select_n3A_470, %mul3A_471 : i32
      %dma_start3A_473 = tpu.memref_slice %arg5[%select_n3A_454, %mul3A_472] : memref<50x512xi32, #tpu.memory_space<vmem>> -> memref<1x128xi32, #tpu.memory_space<vmem>>
      %dma_start3A_474 = tpu.memref_squeeze %dma_start3A_473 : memref<1x128xi32, #tpu.memory_space<vmem>> -> memref<128xi32, #tpu.memory_space<vmem>>
      %dma_start3A_475 = arith.constant 0 : i32
      %dma_start3A_476 = arith.constant 0 : i32
      %dma_start3A_477 = tpu.memref_slice %arg3[%dma_start3A_475, %dma_start3A_476] : memref<2000000x64xf32, #tpu.memory_space<hbm>> -> memref<2000000x64xf32, #tpu.memory_space<hbm>>
      tpu.enqueue_indirect_dma source(%dma_start3A_477 : memref<2000000x64xf32, #tpu.memory_space<hbm>>) target(%arg10 : memref<128x64xf32, #tpu.memory_space<vmem>>) offsets(%dma_start3A_474 : memref<128xi32, #tpu.memory_space<vmem>>) semaphore(%arg18 : memref<!tpu.dma_semaphore, #tpu.memory_space<semaphore_mem>>)
      %gt3A_478 = arith.constant 0 : i32
      %gt3A_479 = arith.cmpi sgt, %scan3A_190, %gt3A_478 : i32
      %convert_element_type3A_480 = arith.extui %gt3A_479 : i1 to i32
      %cond3A_481 = arith.constant 0 : i32
      %cond3A_482 = arith.cmpi ne, %convert_element_type3A_480, %cond3A_481 : i32
      scf.if %cond3A_482 {
        %sub3A_765 = arith.constant 8 : i32
        %sub3A_766 = arith.subi %add3A_425, %sub3A_765 : i32
        %add3A_767 = arith.constant 1 : i32
        %add3A_768 = arith.addi %sub3A_766, %add3A_767 : i32
        %jit3A_769 = arith.constant 4 : i32
        %div3A_770 = arith.divsi %add3A_768, %jit3A_769 : i32
        %sign3A_771 = arith.constant 0 : i32
        %sign3A_772 = arith.cmpi sgt, %add3A_768, %sign3A_771 : i32
        %sign3A_773 = arith.extui %sign3A_772 : i1 to i32
        %sign3A_774 = arith.constant 0 : i32
        %sign3A_775 = arith.cmpi slt, %add3A_768, %sign3A_774 : i32
        %sign3A_776 = arith.extui %sign3A_775 : i1 to i32
        %sign3A_777 = arith.subi %sign3A_773, %sign3A_776 : i32
        %sign3A_778 = arith.constant 0 : i32
        %sign3A_779 = arith.cmpi sgt, %jit3A_769, %sign3A_778 : i32
        %sign3A_780 = arith.extui %sign3A_779 : i1 to i32
        %sign3A_781 = arith.constant 0 : i32
        %sign3A_782 = arith.cmpi slt, %jit3A_769, %sign3A_781 : i32
        %sign3A_783 = arith.extui %sign3A_782 : i1 to i32
        %sign3A_784 = arith.subi %sign3A_780, %sign3A_783 : i32
        %ne3A_785 = arith.cmpi ne, %sign3A_777, %sign3A_784 : i32
        %rem3A_786 = arith.remsi %add3A_768, %jit3A_769 : i32
        %ne3A_787 = arith.constant 0 : i32
        %ne3A_788 = arith.cmpi ne, %rem3A_786, %ne3A_787 : i32
        %and3A_789 = arith.andi %ne3A_785, %ne3A_788 : i1
        %sub3A_790 = arith.constant 1 : i32
        %sub3A_791 = arith.subi %div3A_770, %sub3A_790 : i32
        %select_n3A_792 = arith.select %and3A_789, %sub3A_791, %div3A_770 : i32
        %jit3A_793 = arith.constant 4 : i32
        %eq3A_794 = arith.constant 0 : i32
        %eq3A_795 = arith.cmpi eq, %jit3A_793, %eq3A_794 : i32
        %jit3A_796 = arith.constant 1 : i32
        %select_n3A_797 = arith.select %eq3A_795, %jit3A_796, %jit3A_793 : i32
        %rem3A_798 = arith.remsi %add3A_768, %select_n3A_797 : i32
        %ne3A_799 = arith.constant 0 : i32
        %ne3A_800 = arith.cmpi ne, %rem3A_798, %ne3A_799 : i32
        %lt3A_801 = arith.constant 0 : i32
        %lt3A_802 = arith.cmpi slt, %rem3A_798, %lt3A_801 : i32
        %lt3A_803 = arith.constant 0 : i32
        %lt3A_804 = arith.cmpi slt, %select_n3A_797, %lt3A_803 : i32
        %ne3A_805 = arith.xori %lt3A_802, %lt3A_804 : i1
        %and3A_806 = arith.andi %ne3A_805, %ne3A_800 : i1
        %add3A_807 = arith.addi %rem3A_798, %select_n3A_797 : i32
        %select_n3A_808 = arith.select %and3A_806, %add3A_807, %rem3A_798 : i32
        %mul3A_809 = arith.constant 128 : i32
        %mul3A_810 = arith.muli %select_n3A_808, %mul3A_809 : i32
        %dma_wait3A_811 = tpu.memref_slice %arg5[%select_n3A_792, %mul3A_810] : memref<50x512xi32, #tpu.memory_space<vmem>> -> memref<1x128xi32, #tpu.memory_space<vmem>>
        %dma_wait3A_812 = tpu.memref_squeeze %dma_wait3A_811 : memref<1x128xi32, #tpu.memory_space<vmem>> -> memref<128xi32, #tpu.memory_space<vmem>>
        %dma_wait3A_813 = arith.constant 0 : i32
        %dma_wait3A_814 = arith.constant 0 : i32
        %dma_wait3A_815 = tpu.memref_slice %arg3[%dma_wait3A_813, %dma_wait3A_814] : memref<2000000x64xf32, #tpu.memory_space<hbm>> -> memref<2000000x64xf32, #tpu.memory_space<hbm>>
        tpu.wait_indirect_dma semaphore(%arg19 : memref<!tpu.dma_semaphore, #tpu.memory_space<semaphore_mem>>) src(%dma_wait3A_815 : memref<2000000x64xf32, #tpu.memory_space<hbm>>) dst(%arg11 : memref<128x64xf32, #tpu.memory_space<vmem>>)
        %sub3A_816 = arith.constant 8 : i32
        %sub3A_817 = arith.subi %add3A_425, %sub3A_816 : i32
        %add3A_818 = arith.constant 1 : i32
        %add3A_819 = arith.addi %sub3A_817, %add3A_818 : i32
        %jit3A_820 = arith.constant 4 : i32
        %div3A_821 = arith.divsi %add3A_819, %jit3A_820 : i32
        %sign3A_822 = arith.constant 0 : i32
        %sign3A_823 = arith.cmpi sgt, %add3A_819, %sign3A_822 : i32
        %sign3A_824 = arith.extui %sign3A_823 : i1 to i32
        %sign3A_825 = arith.constant 0 : i32
        %sign3A_826 = arith.cmpi slt, %add3A_819, %sign3A_825 : i32
        %sign3A_827 = arith.extui %sign3A_826 : i1 to i32
        %sign3A_828 = arith.subi %sign3A_824, %sign3A_827 : i32
        %sign3A_829 = arith.constant 0 : i32
        %sign3A_830 = arith.cmpi sgt, %jit3A_820, %sign3A_829 : i32
        %sign3A_831 = arith.extui %sign3A_830 : i1 to i32
        %sign3A_832 = arith.constant 0 : i32
        %sign3A_833 = arith.cmpi slt, %jit3A_820, %sign3A_832 : i32
        %sign3A_834 = arith.extui %sign3A_833 : i1 to i32
        %sign3A_835 = arith.subi %sign3A_831, %sign3A_834 : i32
        %ne3A_836 = arith.cmpi ne, %sign3A_828, %sign3A_835 : i32
        %rem3A_837 = arith.remsi %add3A_819, %jit3A_820 : i32
        %ne3A_838 = arith.constant 0 : i32
        %ne3A_839 = arith.cmpi ne, %rem3A_837, %ne3A_838 : i32
        %and3A_840 = arith.andi %ne3A_836, %ne3A_839 : i1
        %sub3A_841 = arith.constant 1 : i32
        %sub3A_842 = arith.subi %div3A_821, %sub3A_841 : i32
        %select_n3A_843 = arith.select %and3A_840, %sub3A_842, %div3A_821 : i32
        %jit3A_844 = arith.constant 4 : i32
        %eq3A_845 = arith.constant 0 : i32
        %eq3A_846 = arith.cmpi eq, %jit3A_844, %eq3A_845 : i32
        %jit3A_847 = arith.constant 1 : i32
        %select_n3A_848 = arith.select %eq3A_846, %jit3A_847, %jit3A_844 : i32
        %rem3A_849 = arith.remsi %add3A_819, %select_n3A_848 : i32
        %ne3A_850 = arith.constant 0 : i32
        %ne3A_851 = arith.cmpi ne, %rem3A_849, %ne3A_850 : i32
        %lt3A_852 = arith.constant 0 : i32
        %lt3A_853 = arith.cmpi slt, %rem3A_849, %lt3A_852 : i32
        %lt3A_854 = arith.constant 0 : i32
        %lt3A_855 = arith.cmpi slt, %select_n3A_848, %lt3A_854 : i32
        %ne3A_856 = arith.xori %lt3A_853, %lt3A_855 : i1
        %and3A_857 = arith.andi %ne3A_856, %ne3A_851 : i1
        %add3A_858 = arith.addi %rem3A_849, %select_n3A_848 : i32
        %select_n3A_859 = arith.select %and3A_857, %add3A_858, %rem3A_849 : i32
        %mul3A_860 = arith.constant 128 : i32
        %mul3A_861 = arith.muli %select_n3A_859, %mul3A_860 : i32
        %add3A_862 = arith.addi %mul3A_2, %mul3A_861 : i32
        %dma_start3A_863 = arith.constant 0 : i32
        %dma_start3A_864 = tpu.memref_slice %arg4[%select_n3A_843, %add3A_862, %dma_start3A_863] : memref<50x16384x64xf32, #tpu.memory_space<hbm>> -> memref<1x128x64xf32, #tpu.memory_space<hbm>>
        %dma_start3A_865 = tpu.memref_squeeze %dma_start3A_864 : memref<1x128x64xf32, #tpu.memory_space<hbm>> -> memref<128x64xf32, #tpu.memory_space<hbm>>
        %dma_start3A_866 = arith.constant 0 : i32
        %dma_start3A_867 = tpu.memref_slice %arg4[%select_n3A_843, %add3A_862, %dma_start3A_866] : memref<50x16384x64xf32, #tpu.memory_space<hbm>> -> memref<1x128x64xf32, #tpu.memory_space<hbm>>
        %dma_start3A_868 = tpu.memref_squeeze %dma_start3A_867 : memref<1x128x64xf32, #tpu.memory_space<hbm>> -> memref<128x64xf32, #tpu.memory_space<hbm>>
        tpu.enqueue_dma source(%arg11 : memref<128x64xf32, #tpu.memory_space<vmem>>) target(%dma_start3A_868 : memref<128x64xf32, #tpu.memory_space<hbm>>) target_semaphore(%arg27 : memref<!tpu.dma_semaphore, #tpu.memory_space<semaphore_mem>>)
      } else {
      }
      %mul3A_483 = arith.constant 8 : i32
      %mul3A_484 = arith.muli %scan3A_190, %mul3A_483 : i32
      %add3A_485 = arith.constant 5 : i32
      %add3A_486 = arith.addi %mul3A_484, %add3A_485 : i32
      %gt3A_487 = arith.constant 0 : i32
      %gt3A_488 = arith.cmpi sgt, %scan3A_190, %gt3A_487 : i32
      %convert_element_type3A_489 = arith.extui %gt3A_488 : i1 to i32
      %cond3A_490 = arith.constant 0 : i32
      %cond3A_491 = arith.cmpi ne, %convert_element_type3A_489, %cond3A_490 : i32
      scf.if %cond3A_491 {
        %sub3A_765 = arith.constant 8 : i32
        %sub3A_766 = arith.subi %add3A_486, %sub3A_765 : i32
        %jit3A_767 = arith.constant 4 : i32
        %div3A_768 = arith.divsi %sub3A_766, %jit3A_767 : i32
        %sign3A_769 = arith.constant 0 : i32
        %sign3A_770 = arith.cmpi sgt, %sub3A_766, %sign3A_769 : i32
        %sign3A_771 = arith.extui %sign3A_770 : i1 to i32
        %sign3A_772 = arith.constant 0 : i32
        %sign3A_773 = arith.cmpi slt, %sub3A_766, %sign3A_772 : i32
        %sign3A_774 = arith.extui %sign3A_773 : i1 to i32
        %sign3A_775 = arith.subi %sign3A_771, %sign3A_774 : i32
        %sign3A_776 = arith.constant 0 : i32
        %sign3A_777 = arith.cmpi sgt, %jit3A_767, %sign3A_776 : i32
        %sign3A_778 = arith.extui %sign3A_777 : i1 to i32
        %sign3A_779 = arith.constant 0 : i32
        %sign3A_780 = arith.cmpi slt, %jit3A_767, %sign3A_779 : i32
        %sign3A_781 = arith.extui %sign3A_780 : i1 to i32
        %sign3A_782 = arith.subi %sign3A_778, %sign3A_781 : i32
        %ne3A_783 = arith.cmpi ne, %sign3A_775, %sign3A_782 : i32
        %rem3A_784 = arith.remsi %sub3A_766, %jit3A_767 : i32
        %ne3A_785 = arith.constant 0 : i32
        %ne3A_786 = arith.cmpi ne, %rem3A_784, %ne3A_785 : i32
        %and3A_787 = arith.andi %ne3A_783, %ne3A_786 : i1
        %sub3A_788 = arith.constant 1 : i32
        %sub3A_789 = arith.subi %div3A_768, %sub3A_788 : i32
        %select_n3A_790 = arith.select %and3A_787, %sub3A_789, %div3A_768 : i32
        %jit3A_791 = arith.constant 4 : i32
        %eq3A_792 = arith.constant 0 : i32
        %eq3A_793 = arith.cmpi eq, %jit3A_791, %eq3A_792 : i32
        %jit3A_794 = arith.constant 1 : i32
        %select_n3A_795 = arith.select %eq3A_793, %jit3A_794, %jit3A_791 : i32
        %rem3A_796 = arith.remsi %sub3A_766, %select_n3A_795 : i32
        %ne3A_797 = arith.constant 0 : i32
        %ne3A_798 = arith.cmpi ne, %rem3A_796, %ne3A_797 : i32
        %lt3A_799 = arith.constant 0 : i32
        %lt3A_800 = arith.cmpi slt, %rem3A_796, %lt3A_799 : i32
        %lt3A_801 = arith.constant 0 : i32
        %lt3A_802 = arith.cmpi slt, %select_n3A_795, %lt3A_801 : i32
        %ne3A_803 = arith.xori %lt3A_800, %lt3A_802 : i1
        %and3A_804 = arith.andi %ne3A_803, %ne3A_798 : i1
        %add3A_805 = arith.addi %rem3A_796, %select_n3A_795 : i32
        %select_n3A_806 = arith.select %and3A_804, %add3A_805, %rem3A_796 : i32
        %mul3A_807 = arith.constant 128 : i32
        %mul3A_808 = arith.muli %select_n3A_806, %mul3A_807 : i32
        %add3A_809 = arith.addi %mul3A_2, %mul3A_808 : i32
        %dma_wait3A_810 = arith.constant 0 : i32
        %dma_wait3A_811 = tpu.memref_slice %arg4[%select_n3A_790, %add3A_809, %dma_wait3A_810] : memref<50x16384x64xf32, #tpu.memory_space<hbm>> -> memref<1x128x64xf32, #tpu.memory_space<hbm>>
        %dma_wait3A_812 = tpu.memref_squeeze %dma_wait3A_811 : memref<1x128x64xf32, #tpu.memory_space<hbm>> -> memref<128x64xf32, #tpu.memory_space<hbm>>
        %dma_wait3A_813 = arith.constant 0 : i32
        %dma_wait3A_814 = tpu.memref_slice %arg4[%select_n3A_790, %add3A_809, %dma_wait3A_813] : memref<50x16384x64xf32, #tpu.memory_space<hbm>> -> memref<1x128x64xf32, #tpu.memory_space<hbm>>
        %dma_wait3A_815 = tpu.memref_squeeze %dma_wait3A_814 : memref<1x128x64xf32, #tpu.memory_space<hbm>> -> memref<128x64xf32, #tpu.memory_space<hbm>>
        tpu.wait_dma2 semaphore(%arg27 : memref<!tpu.dma_semaphore, #tpu.memory_space<semaphore_mem>>) src(%arg11 : memref<128x64xf32, #tpu.memory_space<vmem>>) dst(%dma_wait3A_815 : memref<128x64xf32, #tpu.memory_space<hbm>>)
      } else {
      }
      %jit3A_492 = arith.constant 4 : i32
      %div3A_493 = arith.divsi %add3A_486, %jit3A_492 : i32
      %sign3A_494 = arith.constant 0 : i32
      %sign3A_495 = arith.cmpi sgt, %add3A_486, %sign3A_494 : i32
      %sign3A_496 = arith.extui %sign3A_495 : i1 to i32
      %sign3A_497 = arith.constant 0 : i32
      %sign3A_498 = arith.cmpi slt, %add3A_486, %sign3A_497 : i32
      %sign3A_499 = arith.extui %sign3A_498 : i1 to i32
      %sign3A_500 = arith.subi %sign3A_496, %sign3A_499 : i32
      %sign3A_501 = arith.constant 0 : i32
      %sign3A_502 = arith.cmpi sgt, %jit3A_492, %sign3A_501 : i32
      %sign3A_503 = arith.extui %sign3A_502 : i1 to i32
      %sign3A_504 = arith.constant 0 : i32
      %sign3A_505 = arith.cmpi slt, %jit3A_492, %sign3A_504 : i32
      %sign3A_506 = arith.extui %sign3A_505 : i1 to i32
      %sign3A_507 = arith.subi %sign3A_503, %sign3A_506 : i32
      %ne3A_508 = arith.cmpi ne, %sign3A_500, %sign3A_507 : i32
      %rem3A_509 = arith.remsi %add3A_486, %jit3A_492 : i32
      %ne3A_510 = arith.constant 0 : i32
      %ne3A_511 = arith.cmpi ne, %rem3A_509, %ne3A_510 : i32
      %and3A_512 = arith.andi %ne3A_508, %ne3A_511 : i1
      %sub3A_513 = arith.constant 1 : i32
      %sub3A_514 = arith.subi %div3A_493, %sub3A_513 : i32
      %select_n3A_515 = arith.select %and3A_512, %sub3A_514, %div3A_493 : i32
      %jit3A_516 = arith.constant 4 : i32
      %eq3A_517 = arith.constant 0 : i32
      %eq3A_518 = arith.cmpi eq, %jit3A_516, %eq3A_517 : i32
      %jit3A_519 = arith.constant 1 : i32
      %select_n3A_520 = arith.select %eq3A_518, %jit3A_519, %jit3A_516 : i32
      %rem3A_521 = arith.remsi %add3A_486, %select_n3A_520 : i32
      %ne3A_522 = arith.constant 0 : i32
      %ne3A_523 = arith.cmpi ne, %rem3A_521, %ne3A_522 : i32
      %lt3A_524 = arith.constant 0 : i32
      %lt3A_525 = arith.cmpi slt, %rem3A_521, %lt3A_524 : i32
      %lt3A_526 = arith.constant 0 : i32
      %lt3A_527 = arith.cmpi slt, %select_n3A_520, %lt3A_526 : i32
      %ne3A_528 = arith.xori %lt3A_525, %lt3A_527 : i1
      %and3A_529 = arith.andi %ne3A_528, %ne3A_523 : i1
      %add3A_530 = arith.addi %rem3A_521, %select_n3A_520 : i32
      %select_n3A_531 = arith.select %and3A_529, %add3A_530, %rem3A_521 : i32
      %mul3A_532 = arith.constant 128 : i32
      %mul3A_533 = arith.muli %select_n3A_531, %mul3A_532 : i32
      %dma_start3A_534 = tpu.memref_slice %arg5[%select_n3A_515, %mul3A_533] : memref<50x512xi32, #tpu.memory_space<vmem>> -> memref<1x128xi32, #tpu.memory_space<vmem>>
      %dma_start3A_535 = tpu.memref_squeeze %dma_start3A_534 : memref<1x128xi32, #tpu.memory_space<vmem>> -> memref<128xi32, #tpu.memory_space<vmem>>
      %dma_start3A_536 = arith.constant 0 : i32
      %dma_start3A_537 = arith.constant 0 : i32
      %dma_start3A_538 = tpu.memref_slice %arg3[%dma_start3A_536, %dma_start3A_537] : memref<2000000x64xf32, #tpu.memory_space<hbm>> -> memref<2000000x64xf32, #tpu.memory_space<hbm>>
      tpu.enqueue_indirect_dma source(%dma_start3A_538 : memref<2000000x64xf32, #tpu.memory_space<hbm>>) target(%arg11 : memref<128x64xf32, #tpu.memory_space<vmem>>) offsets(%dma_start3A_535 : memref<128xi32, #tpu.memory_space<vmem>>) semaphore(%arg19 : memref<!tpu.dma_semaphore, #tpu.memory_space<semaphore_mem>>)
      %gt3A_539 = arith.constant 0 : i32
      %gt3A_540 = arith.cmpi sgt, %scan3A_190, %gt3A_539 : i32
      %convert_element_type3A_541 = arith.extui %gt3A_540 : i1 to i32
      %cond3A_542 = arith.constant 0 : i32
      %cond3A_543 = arith.cmpi ne, %convert_element_type3A_541, %cond3A_542 : i32
      scf.if %cond3A_543 {
        %sub3A_765 = arith.constant 8 : i32
        %sub3A_766 = arith.subi %add3A_486, %sub3A_765 : i32
        %add3A_767 = arith.constant 1 : i32
        %add3A_768 = arith.addi %sub3A_766, %add3A_767 : i32
        %jit3A_769 = arith.constant 4 : i32
        %div3A_770 = arith.divsi %add3A_768, %jit3A_769 : i32
        %sign3A_771 = arith.constant 0 : i32
        %sign3A_772 = arith.cmpi sgt, %add3A_768, %sign3A_771 : i32
        %sign3A_773 = arith.extui %sign3A_772 : i1 to i32
        %sign3A_774 = arith.constant 0 : i32
        %sign3A_775 = arith.cmpi slt, %add3A_768, %sign3A_774 : i32
        %sign3A_776 = arith.extui %sign3A_775 : i1 to i32
        %sign3A_777 = arith.subi %sign3A_773, %sign3A_776 : i32
        %sign3A_778 = arith.constant 0 : i32
        %sign3A_779 = arith.cmpi sgt, %jit3A_769, %sign3A_778 : i32
        %sign3A_780 = arith.extui %sign3A_779 : i1 to i32
        %sign3A_781 = arith.constant 0 : i32
        %sign3A_782 = arith.cmpi slt, %jit3A_769, %sign3A_781 : i32
        %sign3A_783 = arith.extui %sign3A_782 : i1 to i32
        %sign3A_784 = arith.subi %sign3A_780, %sign3A_783 : i32
        %ne3A_785 = arith.cmpi ne, %sign3A_777, %sign3A_784 : i32
        %rem3A_786 = arith.remsi %add3A_768, %jit3A_769 : i32
        %ne3A_787 = arith.constant 0 : i32
        %ne3A_788 = arith.cmpi ne, %rem3A_786, %ne3A_787 : i32
        %and3A_789 = arith.andi %ne3A_785, %ne3A_788 : i1
        %sub3A_790 = arith.constant 1 : i32
        %sub3A_791 = arith.subi %div3A_770, %sub3A_790 : i32
        %select_n3A_792 = arith.select %and3A_789, %sub3A_791, %div3A_770 : i32
        %jit3A_793 = arith.constant 4 : i32
        %eq3A_794 = arith.constant 0 : i32
        %eq3A_795 = arith.cmpi eq, %jit3A_793, %eq3A_794 : i32
        %jit3A_796 = arith.constant 1 : i32
        %select_n3A_797 = arith.select %eq3A_795, %jit3A_796, %jit3A_793 : i32
        %rem3A_798 = arith.remsi %add3A_768, %select_n3A_797 : i32
        %ne3A_799 = arith.constant 0 : i32
        %ne3A_800 = arith.cmpi ne, %rem3A_798, %ne3A_799 : i32
        %lt3A_801 = arith.constant 0 : i32
        %lt3A_802 = arith.cmpi slt, %rem3A_798, %lt3A_801 : i32
        %lt3A_803 = arith.constant 0 : i32
        %lt3A_804 = arith.cmpi slt, %select_n3A_797, %lt3A_803 : i32
        %ne3A_805 = arith.xori %lt3A_802, %lt3A_804 : i1
        %and3A_806 = arith.andi %ne3A_805, %ne3A_800 : i1
        %add3A_807 = arith.addi %rem3A_798, %select_n3A_797 : i32
        %select_n3A_808 = arith.select %and3A_806, %add3A_807, %rem3A_798 : i32
        %mul3A_809 = arith.constant 128 : i32
        %mul3A_810 = arith.muli %select_n3A_808, %mul3A_809 : i32
        %dma_wait3A_811 = tpu.memref_slice %arg5[%select_n3A_792, %mul3A_810] : memref<50x512xi32, #tpu.memory_space<vmem>> -> memref<1x128xi32, #tpu.memory_space<vmem>>
        %dma_wait3A_812 = tpu.memref_squeeze %dma_wait3A_811 : memref<1x128xi32, #tpu.memory_space<vmem>> -> memref<128xi32, #tpu.memory_space<vmem>>
        %dma_wait3A_813 = arith.constant 0 : i32
        %dma_wait3A_814 = arith.constant 0 : i32
        %dma_wait3A_815 = tpu.memref_slice %arg3[%dma_wait3A_813, %dma_wait3A_814] : memref<2000000x64xf32, #tpu.memory_space<hbm>> -> memref<2000000x64xf32, #tpu.memory_space<hbm>>
        tpu.wait_indirect_dma semaphore(%arg20 : memref<!tpu.dma_semaphore, #tpu.memory_space<semaphore_mem>>) src(%dma_wait3A_815 : memref<2000000x64xf32, #tpu.memory_space<hbm>>) dst(%arg12 : memref<128x64xf32, #tpu.memory_space<vmem>>)
        %sub3A_816 = arith.constant 8 : i32
        %sub3A_817 = arith.subi %add3A_486, %sub3A_816 : i32
        %add3A_818 = arith.constant 1 : i32
        %add3A_819 = arith.addi %sub3A_817, %add3A_818 : i32
        %jit3A_820 = arith.constant 4 : i32
        %div3A_821 = arith.divsi %add3A_819, %jit3A_820 : i32
        %sign3A_822 = arith.constant 0 : i32
        %sign3A_823 = arith.cmpi sgt, %add3A_819, %sign3A_822 : i32
        %sign3A_824 = arith.extui %sign3A_823 : i1 to i32
        %sign3A_825 = arith.constant 0 : i32
        %sign3A_826 = arith.cmpi slt, %add3A_819, %sign3A_825 : i32
        %sign3A_827 = arith.extui %sign3A_826 : i1 to i32
        %sign3A_828 = arith.subi %sign3A_824, %sign3A_827 : i32
        %sign3A_829 = arith.constant 0 : i32
        %sign3A_830 = arith.cmpi sgt, %jit3A_820, %sign3A_829 : i32
        %sign3A_831 = arith.extui %sign3A_830 : i1 to i32
        %sign3A_832 = arith.constant 0 : i32
        %sign3A_833 = arith.cmpi slt, %jit3A_820, %sign3A_832 : i32
        %sign3A_834 = arith.extui %sign3A_833 : i1 to i32
        %sign3A_835 = arith.subi %sign3A_831, %sign3A_834 : i32
        %ne3A_836 = arith.cmpi ne, %sign3A_828, %sign3A_835 : i32
        %rem3A_837 = arith.remsi %add3A_819, %jit3A_820 : i32
        %ne3A_838 = arith.constant 0 : i32
        %ne3A_839 = arith.cmpi ne, %rem3A_837, %ne3A_838 : i32
        %and3A_840 = arith.andi %ne3A_836, %ne3A_839 : i1
        %sub3A_841 = arith.constant 1 : i32
        %sub3A_842 = arith.subi %div3A_821, %sub3A_841 : i32
        %select_n3A_843 = arith.select %and3A_840, %sub3A_842, %div3A_821 : i32
        %jit3A_844 = arith.constant 4 : i32
        %eq3A_845 = arith.constant 0 : i32
        %eq3A_846 = arith.cmpi eq, %jit3A_844, %eq3A_845 : i32
        %jit3A_847 = arith.constant 1 : i32
        %select_n3A_848 = arith.select %eq3A_846, %jit3A_847, %jit3A_844 : i32
        %rem3A_849 = arith.remsi %add3A_819, %select_n3A_848 : i32
        %ne3A_850 = arith.constant 0 : i32
        %ne3A_851 = arith.cmpi ne, %rem3A_849, %ne3A_850 : i32
        %lt3A_852 = arith.constant 0 : i32
        %lt3A_853 = arith.cmpi slt, %rem3A_849, %lt3A_852 : i32
        %lt3A_854 = arith.constant 0 : i32
        %lt3A_855 = arith.cmpi slt, %select_n3A_848, %lt3A_854 : i32
        %ne3A_856 = arith.xori %lt3A_853, %lt3A_855 : i1
        %and3A_857 = arith.andi %ne3A_856, %ne3A_851 : i1
        %add3A_858 = arith.addi %rem3A_849, %select_n3A_848 : i32
        %select_n3A_859 = arith.select %and3A_857, %add3A_858, %rem3A_849 : i32
        %mul3A_860 = arith.constant 128 : i32
        %mul3A_861 = arith.muli %select_n3A_859, %mul3A_860 : i32
        %add3A_862 = arith.addi %mul3A_2, %mul3A_861 : i32
        %dma_start3A_863 = arith.constant 0 : i32
        %dma_start3A_864 = tpu.memref_slice %arg4[%select_n3A_843, %add3A_862, %dma_start3A_863] : memref<50x16384x64xf32, #tpu.memory_space<hbm>> -> memref<1x128x64xf32, #tpu.memory_space<hbm>>
        %dma_start3A_865 = tpu.memref_squeeze %dma_start3A_864 : memref<1x128x64xf32, #tpu.memory_space<hbm>> -> memref<128x64xf32, #tpu.memory_space<hbm>>
        %dma_start3A_866 = arith.constant 0 : i32
        %dma_start3A_867 = tpu.memref_slice %arg4[%select_n3A_843, %add3A_862, %dma_start3A_866] : memref<50x16384x64xf32, #tpu.memory_space<hbm>> -> memref<1x128x64xf32, #tpu.memory_space<hbm>>
        %dma_start3A_868 = tpu.memref_squeeze %dma_start3A_867 : memref<1x128x64xf32, #tpu.memory_space<hbm>> -> memref<128x64xf32, #tpu.memory_space<hbm>>
        tpu.enqueue_dma source(%arg12 : memref<128x64xf32, #tpu.memory_space<vmem>>) target(%dma_start3A_868 : memref<128x64xf32, #tpu.memory_space<hbm>>) target_semaphore(%arg28 : memref<!tpu.dma_semaphore, #tpu.memory_space<semaphore_mem>>)
      } else {
      }
      %mul3A_544 = arith.constant 8 : i32
      %mul3A_545 = arith.muli %scan3A_190, %mul3A_544 : i32
      %add3A_546 = arith.constant 6 : i32
      %add3A_547 = arith.addi %mul3A_545, %add3A_546 : i32
      %gt3A_548 = arith.constant 0 : i32
      %gt3A_549 = arith.cmpi sgt, %scan3A_190, %gt3A_548 : i32
      %convert_element_type3A_550 = arith.extui %gt3A_549 : i1 to i32
      %cond3A_551 = arith.constant 0 : i32
      %cond3A_552 = arith.cmpi ne, %convert_element_type3A_550, %cond3A_551 : i32
      scf.if %cond3A_552 {
        %sub3A_765 = arith.constant 8 : i32
        %sub3A_766 = arith.subi %add3A_547, %sub3A_765 : i32
        %jit3A_767 = arith.constant 4 : i32
        %div3A_768 = arith.divsi %sub3A_766, %jit3A_767 : i32
        %sign3A_769 = arith.constant 0 : i32
        %sign3A_770 = arith.cmpi sgt, %sub3A_766, %sign3A_769 : i32
        %sign3A_771 = arith.extui %sign3A_770 : i1 to i32
        %sign3A_772 = arith.constant 0 : i32
        %sign3A_773 = arith.cmpi slt, %sub3A_766, %sign3A_772 : i32
        %sign3A_774 = arith.extui %sign3A_773 : i1 to i32
        %sign3A_775 = arith.subi %sign3A_771, %sign3A_774 : i32
        %sign3A_776 = arith.constant 0 : i32
        %sign3A_777 = arith.cmpi sgt, %jit3A_767, %sign3A_776 : i32
        %sign3A_778 = arith.extui %sign3A_777 : i1 to i32
        %sign3A_779 = arith.constant 0 : i32
        %sign3A_780 = arith.cmpi slt, %jit3A_767, %sign3A_779 : i32
        %sign3A_781 = arith.extui %sign3A_780 : i1 to i32
        %sign3A_782 = arith.subi %sign3A_778, %sign3A_781 : i32
        %ne3A_783 = arith.cmpi ne, %sign3A_775, %sign3A_782 : i32
        %rem3A_784 = arith.remsi %sub3A_766, %jit3A_767 : i32
        %ne3A_785 = arith.constant 0 : i32
        %ne3A_786 = arith.cmpi ne, %rem3A_784, %ne3A_785 : i32
        %and3A_787 = arith.andi %ne3A_783, %ne3A_786 : i1
        %sub3A_788 = arith.constant 1 : i32
        %sub3A_789 = arith.subi %div3A_768, %sub3A_788 : i32
        %select_n3A_790 = arith.select %and3A_787, %sub3A_789, %div3A_768 : i32
        %jit3A_791 = arith.constant 4 : i32
        %eq3A_792 = arith.constant 0 : i32
        %eq3A_793 = arith.cmpi eq, %jit3A_791, %eq3A_792 : i32
        %jit3A_794 = arith.constant 1 : i32
        %select_n3A_795 = arith.select %eq3A_793, %jit3A_794, %jit3A_791 : i32
        %rem3A_796 = arith.remsi %sub3A_766, %select_n3A_795 : i32
        %ne3A_797 = arith.constant 0 : i32
        %ne3A_798 = arith.cmpi ne, %rem3A_796, %ne3A_797 : i32
        %lt3A_799 = arith.constant 0 : i32
        %lt3A_800 = arith.cmpi slt, %rem3A_796, %lt3A_799 : i32
        %lt3A_801 = arith.constant 0 : i32
        %lt3A_802 = arith.cmpi slt, %select_n3A_795, %lt3A_801 : i32
        %ne3A_803 = arith.xori %lt3A_800, %lt3A_802 : i1
        %and3A_804 = arith.andi %ne3A_803, %ne3A_798 : i1
        %add3A_805 = arith.addi %rem3A_796, %select_n3A_795 : i32
        %select_n3A_806 = arith.select %and3A_804, %add3A_805, %rem3A_796 : i32
        %mul3A_807 = arith.constant 128 : i32
        %mul3A_808 = arith.muli %select_n3A_806, %mul3A_807 : i32
        %add3A_809 = arith.addi %mul3A_2, %mul3A_808 : i32
        %dma_wait3A_810 = arith.constant 0 : i32
        %dma_wait3A_811 = tpu.memref_slice %arg4[%select_n3A_790, %add3A_809, %dma_wait3A_810] : memref<50x16384x64xf32, #tpu.memory_space<hbm>> -> memref<1x128x64xf32, #tpu.memory_space<hbm>>
        %dma_wait3A_812 = tpu.memref_squeeze %dma_wait3A_811 : memref<1x128x64xf32, #tpu.memory_space<hbm>> -> memref<128x64xf32, #tpu.memory_space<hbm>>
        %dma_wait3A_813 = arith.constant 0 : i32
        %dma_wait3A_814 = tpu.memref_slice %arg4[%select_n3A_790, %add3A_809, %dma_wait3A_813] : memref<50x16384x64xf32, #tpu.memory_space<hbm>> -> memref<1x128x64xf32, #tpu.memory_space<hbm>>
        %dma_wait3A_815 = tpu.memref_squeeze %dma_wait3A_814 : memref<1x128x64xf32, #tpu.memory_space<hbm>> -> memref<128x64xf32, #tpu.memory_space<hbm>>
        tpu.wait_dma2 semaphore(%arg28 : memref<!tpu.dma_semaphore, #tpu.memory_space<semaphore_mem>>) src(%arg12 : memref<128x64xf32, #tpu.memory_space<vmem>>) dst(%dma_wait3A_815 : memref<128x64xf32, #tpu.memory_space<hbm>>)
      } else {
      }
      %jit3A_553 = arith.constant 4 : i32
      %div3A_554 = arith.divsi %add3A_547, %jit3A_553 : i32
      %sign3A_555 = arith.constant 0 : i32
      %sign3A_556 = arith.cmpi sgt, %add3A_547, %sign3A_555 : i32
      %sign3A_557 = arith.extui %sign3A_556 : i1 to i32
      %sign3A_558 = arith.constant 0 : i32
      %sign3A_559 = arith.cmpi slt, %add3A_547, %sign3A_558 : i32
      %sign3A_560 = arith.extui %sign3A_559 : i1 to i32
      %sign3A_561 = arith.subi %sign3A_557, %sign3A_560 : i32
      %sign3A_562 = arith.constant 0 : i32
      %sign3A_563 = arith.cmpi sgt, %jit3A_553, %sign3A_562 : i32
      %sign3A_564 = arith.extui %sign3A_563 : i1 to i32
      %sign3A_565 = arith.constant 0 : i32
      %sign3A_566 = arith.cmpi slt, %jit3A_553, %sign3A_565 : i32
      %sign3A_567 = arith.extui %sign3A_566 : i1 to i32
      %sign3A_568 = arith.subi %sign3A_564, %sign3A_567 : i32
      %ne3A_569 = arith.cmpi ne, %sign3A_561, %sign3A_568 : i32
      %rem3A_570 = arith.remsi %add3A_547, %jit3A_553 : i32
      %ne3A_571 = arith.constant 0 : i32
      %ne3A_572 = arith.cmpi ne, %rem3A_570, %ne3A_571 : i32
      %and3A_573 = arith.andi %ne3A_569, %ne3A_572 : i1
      %sub3A_574 = arith.constant 1 : i32
      %sub3A_575 = arith.subi %div3A_554, %sub3A_574 : i32
      %select_n3A_576 = arith.select %and3A_573, %sub3A_575, %div3A_554 : i32
      %jit3A_577 = arith.constant 4 : i32
      %eq3A_578 = arith.constant 0 : i32
      %eq3A_579 = arith.cmpi eq, %jit3A_577, %eq3A_578 : i32
      %jit3A_580 = arith.constant 1 : i32
      %select_n3A_581 = arith.select %eq3A_579, %jit3A_580, %jit3A_577 : i32
      %rem3A_582 = arith.remsi %add3A_547, %select_n3A_581 : i32
      %ne3A_583 = arith.constant 0 : i32
      %ne3A_584 = arith.cmpi ne, %rem3A_582, %ne3A_583 : i32
      %lt3A_585 = arith.constant 0 : i32
      %lt3A_586 = arith.cmpi slt, %rem3A_582, %lt3A_585 : i32
      %lt3A_587 = arith.constant 0 : i32
      %lt3A_588 = arith.cmpi slt, %select_n3A_581, %lt3A_587 : i32
      %ne3A_589 = arith.xori %lt3A_586, %lt3A_588 : i1
      %and3A_590 = arith.andi %ne3A_589, %ne3A_584 : i1
      %add3A_591 = arith.addi %rem3A_582, %select_n3A_581 : i32
      %select_n3A_592 = arith.select %and3A_590, %add3A_591, %rem3A_582 : i32
      %mul3A_593 = arith.constant 128 : i32
      %mul3A_594 = arith.muli %select_n3A_592, %mul3A_593 : i32
      %dma_start3A_595 = tpu.memref_slice %arg5[%select_n3A_576, %mul3A_594] : memref<50x512xi32, #tpu.memory_space<vmem>> -> memref<1x128xi32, #tpu.memory_space<vmem>>
      %dma_start3A_596 = tpu.memref_squeeze %dma_start3A_595 : memref<1x128xi32, #tpu.memory_space<vmem>> -> memref<128xi32, #tpu.memory_space<vmem>>
      %dma_start3A_597 = arith.constant 0 : i32
      %dma_start3A_598 = arith.constant 0 : i32
      %dma_start3A_599 = tpu.memref_slice %arg3[%dma_start3A_597, %dma_start3A_598] : memref<2000000x64xf32, #tpu.memory_space<hbm>> -> memref<2000000x64xf32, #tpu.memory_space<hbm>>
      tpu.enqueue_indirect_dma source(%dma_start3A_599 : memref<2000000x64xf32, #tpu.memory_space<hbm>>) target(%arg12 : memref<128x64xf32, #tpu.memory_space<vmem>>) offsets(%dma_start3A_596 : memref<128xi32, #tpu.memory_space<vmem>>) semaphore(%arg20 : memref<!tpu.dma_semaphore, #tpu.memory_space<semaphore_mem>>)
      %gt3A_600 = arith.constant 0 : i32
      %gt3A_601 = arith.cmpi sgt, %scan3A_190, %gt3A_600 : i32
      %convert_element_type3A_602 = arith.extui %gt3A_601 : i1 to i32
      %cond3A_603 = arith.constant 0 : i32
      %cond3A_604 = arith.cmpi ne, %convert_element_type3A_602, %cond3A_603 : i32
      scf.if %cond3A_604 {
        %sub3A_765 = arith.constant 8 : i32
        %sub3A_766 = arith.subi %add3A_547, %sub3A_765 : i32
        %add3A_767 = arith.constant 1 : i32
        %add3A_768 = arith.addi %sub3A_766, %add3A_767 : i32
        %jit3A_769 = arith.constant 4 : i32
        %div3A_770 = arith.divsi %add3A_768, %jit3A_769 : i32
        %sign3A_771 = arith.constant 0 : i32
        %sign3A_772 = arith.cmpi sgt, %add3A_768, %sign3A_771 : i32
        %sign3A_773 = arith.extui %sign3A_772 : i1 to i32
        %sign3A_774 = arith.constant 0 : i32
        %sign3A_775 = arith.cmpi slt, %add3A_768, %sign3A_774 : i32
        %sign3A_776 = arith.extui %sign3A_775 : i1 to i32
        %sign3A_777 = arith.subi %sign3A_773, %sign3A_776 : i32
        %sign3A_778 = arith.constant 0 : i32
        %sign3A_779 = arith.cmpi sgt, %jit3A_769, %sign3A_778 : i32
        %sign3A_780 = arith.extui %sign3A_779 : i1 to i32
        %sign3A_781 = arith.constant 0 : i32
        %sign3A_782 = arith.cmpi slt, %jit3A_769, %sign3A_781 : i32
        %sign3A_783 = arith.extui %sign3A_782 : i1 to i32
        %sign3A_784 = arith.subi %sign3A_780, %sign3A_783 : i32
        %ne3A_785 = arith.cmpi ne, %sign3A_777, %sign3A_784 : i32
        %rem3A_786 = arith.remsi %add3A_768, %jit3A_769 : i32
        %ne3A_787 = arith.constant 0 : i32
        %ne3A_788 = arith.cmpi ne, %rem3A_786, %ne3A_787 : i32
        %and3A_789 = arith.andi %ne3A_785, %ne3A_788 : i1
        %sub3A_790 = arith.constant 1 : i32
        %sub3A_791 = arith.subi %div3A_770, %sub3A_790 : i32
        %select_n3A_792 = arith.select %and3A_789, %sub3A_791, %div3A_770 : i32
        %jit3A_793 = arith.constant 4 : i32
        %eq3A_794 = arith.constant 0 : i32
        %eq3A_795 = arith.cmpi eq, %jit3A_793, %eq3A_794 : i32
        %jit3A_796 = arith.constant 1 : i32
        %select_n3A_797 = arith.select %eq3A_795, %jit3A_796, %jit3A_793 : i32
        %rem3A_798 = arith.remsi %add3A_768, %select_n3A_797 : i32
        %ne3A_799 = arith.constant 0 : i32
        %ne3A_800 = arith.cmpi ne, %rem3A_798, %ne3A_799 : i32
        %lt3A_801 = arith.constant 0 : i32
        %lt3A_802 = arith.cmpi slt, %rem3A_798, %lt3A_801 : i32
        %lt3A_803 = arith.constant 0 : i32
        %lt3A_804 = arith.cmpi slt, %select_n3A_797, %lt3A_803 : i32
        %ne3A_805 = arith.xori %lt3A_802, %lt3A_804 : i1
        %and3A_806 = arith.andi %ne3A_805, %ne3A_800 : i1
        %add3A_807 = arith.addi %rem3A_798, %select_n3A_797 : i32
        %select_n3A_808 = arith.select %and3A_806, %add3A_807, %rem3A_798 : i32
        %mul3A_809 = arith.constant 128 : i32
        %mul3A_810 = arith.muli %select_n3A_808, %mul3A_809 : i32
        %dma_wait3A_811 = tpu.memref_slice %arg5[%select_n3A_792, %mul3A_810] : memref<50x512xi32, #tpu.memory_space<vmem>> -> memref<1x128xi32, #tpu.memory_space<vmem>>
        %dma_wait3A_812 = tpu.memref_squeeze %dma_wait3A_811 : memref<1x128xi32, #tpu.memory_space<vmem>> -> memref<128xi32, #tpu.memory_space<vmem>>
        %dma_wait3A_813 = arith.constant 0 : i32
        %dma_wait3A_814 = arith.constant 0 : i32
        %dma_wait3A_815 = tpu.memref_slice %arg3[%dma_wait3A_813, %dma_wait3A_814] : memref<2000000x64xf32, #tpu.memory_space<hbm>> -> memref<2000000x64xf32, #tpu.memory_space<hbm>>
        tpu.wait_indirect_dma semaphore(%arg21 : memref<!tpu.dma_semaphore, #tpu.memory_space<semaphore_mem>>) src(%dma_wait3A_815 : memref<2000000x64xf32, #tpu.memory_space<hbm>>) dst(%arg13 : memref<128x64xf32, #tpu.memory_space<vmem>>)
        %sub3A_816 = arith.constant 8 : i32
        %sub3A_817 = arith.subi %add3A_547, %sub3A_816 : i32
        %add3A_818 = arith.constant 1 : i32
        %add3A_819 = arith.addi %sub3A_817, %add3A_818 : i32
        %jit3A_820 = arith.constant 4 : i32
        %div3A_821 = arith.divsi %add3A_819, %jit3A_820 : i32
        %sign3A_822 = arith.constant 0 : i32
        %sign3A_823 = arith.cmpi sgt, %add3A_819, %sign3A_822 : i32
        %sign3A_824 = arith.extui %sign3A_823 : i1 to i32
        %sign3A_825 = arith.constant 0 : i32
        %sign3A_826 = arith.cmpi slt, %add3A_819, %sign3A_825 : i32
        %sign3A_827 = arith.extui %sign3A_826 : i1 to i32
        %sign3A_828 = arith.subi %sign3A_824, %sign3A_827 : i32
        %sign3A_829 = arith.constant 0 : i32
        %sign3A_830 = arith.cmpi sgt, %jit3A_820, %sign3A_829 : i32
        %sign3A_831 = arith.extui %sign3A_830 : i1 to i32
        %sign3A_832 = arith.constant 0 : i32
        %sign3A_833 = arith.cmpi slt, %jit3A_820, %sign3A_832 : i32
        %sign3A_834 = arith.extui %sign3A_833 : i1 to i32
        %sign3A_835 = arith.subi %sign3A_831, %sign3A_834 : i32
        %ne3A_836 = arith.cmpi ne, %sign3A_828, %sign3A_835 : i32
        %rem3A_837 = arith.remsi %add3A_819, %jit3A_820 : i32
        %ne3A_838 = arith.constant 0 : i32
        %ne3A_839 = arith.cmpi ne, %rem3A_837, %ne3A_838 : i32
        %and3A_840 = arith.andi %ne3A_836, %ne3A_839 : i1
        %sub3A_841 = arith.constant 1 : i32
        %sub3A_842 = arith.subi %div3A_821, %sub3A_841 : i32
        %select_n3A_843 = arith.select %and3A_840, %sub3A_842, %div3A_821 : i32
        %jit3A_844 = arith.constant 4 : i32
        %eq3A_845 = arith.constant 0 : i32
        %eq3A_846 = arith.cmpi eq, %jit3A_844, %eq3A_845 : i32
        %jit3A_847 = arith.constant 1 : i32
        %select_n3A_848 = arith.select %eq3A_846, %jit3A_847, %jit3A_844 : i32
        %rem3A_849 = arith.remsi %add3A_819, %select_n3A_848 : i32
        %ne3A_850 = arith.constant 0 : i32
        %ne3A_851 = arith.cmpi ne, %rem3A_849, %ne3A_850 : i32
        %lt3A_852 = arith.constant 0 : i32
        %lt3A_853 = arith.cmpi slt, %rem3A_849, %lt3A_852 : i32
        %lt3A_854 = arith.constant 0 : i32
        %lt3A_855 = arith.cmpi slt, %select_n3A_848, %lt3A_854 : i32
        %ne3A_856 = arith.xori %lt3A_853, %lt3A_855 : i1
        %and3A_857 = arith.andi %ne3A_856, %ne3A_851 : i1
        %add3A_858 = arith.addi %rem3A_849, %select_n3A_848 : i32
        %select_n3A_859 = arith.select %and3A_857, %add3A_858, %rem3A_849 : i32
        %mul3A_860 = arith.constant 128 : i32
        %mul3A_861 = arith.muli %select_n3A_859, %mul3A_860 : i32
        %add3A_862 = arith.addi %mul3A_2, %mul3A_861 : i32
        %dma_start3A_863 = arith.constant 0 : i32
        %dma_start3A_864 = tpu.memref_slice %arg4[%select_n3A_843, %add3A_862, %dma_start3A_863] : memref<50x16384x64xf32, #tpu.memory_space<hbm>> -> memref<1x128x64xf32, #tpu.memory_space<hbm>>
        %dma_start3A_865 = tpu.memref_squeeze %dma_start3A_864 : memref<1x128x64xf32, #tpu.memory_space<hbm>> -> memref<128x64xf32, #tpu.memory_space<hbm>>
        %dma_start3A_866 = arith.constant 0 : i32
        %dma_start3A_867 = tpu.memref_slice %arg4[%select_n3A_843, %add3A_862, %dma_start3A_866] : memref<50x16384x64xf32, #tpu.memory_space<hbm>> -> memref<1x128x64xf32, #tpu.memory_space<hbm>>
        %dma_start3A_868 = tpu.memref_squeeze %dma_start3A_867 : memref<1x128x64xf32, #tpu.memory_space<hbm>> -> memref<128x64xf32, #tpu.memory_space<hbm>>
        tpu.enqueue_dma source(%arg13 : memref<128x64xf32, #tpu.memory_space<vmem>>) target(%dma_start3A_868 : memref<128x64xf32, #tpu.memory_space<hbm>>) target_semaphore(%arg29 : memref<!tpu.dma_semaphore, #tpu.memory_space<semaphore_mem>>)
      } else {
      }
      %mul3A_605 = arith.constant 8 : i32
      %mul3A_606 = arith.muli %scan3A_190, %mul3A_605 : i32
      %add3A_607 = arith.constant 7 : i32
      %add3A_608 = arith.addi %mul3A_606, %add3A_607 : i32
      %gt3A_609 = arith.constant 0 : i32
      %gt3A_610 = arith.cmpi sgt, %scan3A_190, %gt3A_609 : i32
      %convert_element_type3A_611 = arith.extui %gt3A_610 : i1 to i32
      %cond3A_612 = arith.constant 0 : i32
      %cond3A_613 = arith.cmpi ne, %convert_element_type3A_611, %cond3A_612 : i32
      scf.if %cond3A_613 {
        %sub3A_765 = arith.constant 8 : i32
        %sub3A_766 = arith.subi %add3A_608, %sub3A_765 : i32
        %jit3A_767 = arith.constant 4 : i32
        %div3A_768 = arith.divsi %sub3A_766, %jit3A_767 : i32
        %sign3A_769 = arith.constant 0 : i32
        %sign3A_770 = arith.cmpi sgt, %sub3A_766, %sign3A_769 : i32
        %sign3A_771 = arith.extui %sign3A_770 : i1 to i32
        %sign3A_772 = arith.constant 0 : i32
        %sign3A_773 = arith.cmpi slt, %sub3A_766, %sign3A_772 : i32
        %sign3A_774 = arith.extui %sign3A_773 : i1 to i32
        %sign3A_775 = arith.subi %sign3A_771, %sign3A_774 : i32
        %sign3A_776 = arith.constant 0 : i32
        %sign3A_777 = arith.cmpi sgt, %jit3A_767, %sign3A_776 : i32
        %sign3A_778 = arith.extui %sign3A_777 : i1 to i32
        %sign3A_779 = arith.constant 0 : i32
        %sign3A_780 = arith.cmpi slt, %jit3A_767, %sign3A_779 : i32
        %sign3A_781 = arith.extui %sign3A_780 : i1 to i32
        %sign3A_782 = arith.subi %sign3A_778, %sign3A_781 : i32
        %ne3A_783 = arith.cmpi ne, %sign3A_775, %sign3A_782 : i32
        %rem3A_784 = arith.remsi %sub3A_766, %jit3A_767 : i32
        %ne3A_785 = arith.constant 0 : i32
        %ne3A_786 = arith.cmpi ne, %rem3A_784, %ne3A_785 : i32
        %and3A_787 = arith.andi %ne3A_783, %ne3A_786 : i1
        %sub3A_788 = arith.constant 1 : i32
        %sub3A_789 = arith.subi %div3A_768, %sub3A_788 : i32
        %select_n3A_790 = arith.select %and3A_787, %sub3A_789, %div3A_768 : i32
        %jit3A_791 = arith.constant 4 : i32
        %eq3A_792 = arith.constant 0 : i32
        %eq3A_793 = arith.cmpi eq, %jit3A_791, %eq3A_792 : i32
        %jit3A_794 = arith.constant 1 : i32
        %select_n3A_795 = arith.select %eq3A_793, %jit3A_794, %jit3A_791 : i32
        %rem3A_796 = arith.remsi %sub3A_766, %select_n3A_795 : i32
        %ne3A_797 = arith.constant 0 : i32
        %ne3A_798 = arith.cmpi ne, %rem3A_796, %ne3A_797 : i32
        %lt3A_799 = arith.constant 0 : i32
        %lt3A_800 = arith.cmpi slt, %rem3A_796, %lt3A_799 : i32
        %lt3A_801 = arith.constant 0 : i32
        %lt3A_802 = arith.cmpi slt, %select_n3A_795, %lt3A_801 : i32
        %ne3A_803 = arith.xori %lt3A_800, %lt3A_802 : i1
        %and3A_804 = arith.andi %ne3A_803, %ne3A_798 : i1
        %add3A_805 = arith.addi %rem3A_796, %select_n3A_795 : i32
        %select_n3A_806 = arith.select %and3A_804, %add3A_805, %rem3A_796 : i32
        %mul3A_807 = arith.constant 128 : i32
        %mul3A_808 = arith.muli %select_n3A_806, %mul3A_807 : i32
        %add3A_809 = arith.addi %mul3A_2, %mul3A_808 : i32
        %dma_wait3A_810 = arith.constant 0 : i32
        %dma_wait3A_811 = tpu.memref_slice %arg4[%select_n3A_790, %add3A_809, %dma_wait3A_810] : memref<50x16384x64xf32, #tpu.memory_space<hbm>> -> memref<1x128x64xf32, #tpu.memory_space<hbm>>
        %dma_wait3A_812 = tpu.memref_squeeze %dma_wait3A_811 : memref<1x128x64xf32, #tpu.memory_space<hbm>> -> memref<128x64xf32, #tpu.memory_space<hbm>>
        %dma_wait3A_813 = arith.constant 0 : i32
        %dma_wait3A_814 = tpu.memref_slice %arg4[%select_n3A_790, %add3A_809, %dma_wait3A_813] : memref<50x16384x64xf32, #tpu.memory_space<hbm>> -> memref<1x128x64xf32, #tpu.memory_space<hbm>>
        %dma_wait3A_815 = tpu.memref_squeeze %dma_wait3A_814 : memref<1x128x64xf32, #tpu.memory_space<hbm>> -> memref<128x64xf32, #tpu.memory_space<hbm>>
        tpu.wait_dma2 semaphore(%arg29 : memref<!tpu.dma_semaphore, #tpu.memory_space<semaphore_mem>>) src(%arg13 : memref<128x64xf32, #tpu.memory_space<vmem>>) dst(%dma_wait3A_815 : memref<128x64xf32, #tpu.memory_space<hbm>>)
      } else {
      }
      %jit3A_614 = arith.constant 4 : i32
      %div3A_615 = arith.divsi %add3A_608, %jit3A_614 : i32
      %sign3A_616 = arith.constant 0 : i32
      %sign3A_617 = arith.cmpi sgt, %add3A_608, %sign3A_616 : i32
      %sign3A_618 = arith.extui %sign3A_617 : i1 to i32
      %sign3A_619 = arith.constant 0 : i32
      %sign3A_620 = arith.cmpi slt, %add3A_608, %sign3A_619 : i32
      %sign3A_621 = arith.extui %sign3A_620 : i1 to i32
      %sign3A_622 = arith.subi %sign3A_618, %sign3A_621 : i32
      %sign3A_623 = arith.constant 0 : i32
      %sign3A_624 = arith.cmpi sgt, %jit3A_614, %sign3A_623 : i32
      %sign3A_625 = arith.extui %sign3A_624 : i1 to i32
      %sign3A_626 = arith.constant 0 : i32
      %sign3A_627 = arith.cmpi slt, %jit3A_614, %sign3A_626 : i32
      %sign3A_628 = arith.extui %sign3A_627 : i1 to i32
      %sign3A_629 = arith.subi %sign3A_625, %sign3A_628 : i32
      %ne3A_630 = arith.cmpi ne, %sign3A_622, %sign3A_629 : i32
      %rem3A_631 = arith.remsi %add3A_608, %jit3A_614 : i32
      %ne3A_632 = arith.constant 0 : i32
      %ne3A_633 = arith.cmpi ne, %rem3A_631, %ne3A_632 : i32
      %and3A_634 = arith.andi %ne3A_630, %ne3A_633 : i1
      %sub3A_635 = arith.constant 1 : i32
      %sub3A_636 = arith.subi %div3A_615, %sub3A_635 : i32
      %select_n3A_637 = arith.select %and3A_634, %sub3A_636, %div3A_615 : i32
      %jit3A_638 = arith.constant 4 : i32
      %eq3A_639 = arith.constant 0 : i32
      %eq3A_640 = arith.cmpi eq, %jit3A_638, %eq3A_639 : i32
      %jit3A_641 = arith.constant 1 : i32
      %select_n3A_642 = arith.select %eq3A_640, %jit3A_641, %jit3A_638 : i32
      %rem3A_643 = arith.remsi %add3A_608, %select_n3A_642 : i32
      %ne3A_644 = arith.constant 0 : i32
      %ne3A_645 = arith.cmpi ne, %rem3A_643, %ne3A_644 : i32
      %lt3A_646 = arith.constant 0 : i32
      %lt3A_647 = arith.cmpi slt, %rem3A_643, %lt3A_646 : i32
      %lt3A_648 = arith.constant 0 : i32
      %lt3A_649 = arith.cmpi slt, %select_n3A_642, %lt3A_648 : i32
      %ne3A_650 = arith.xori %lt3A_647, %lt3A_649 : i1
      %and3A_651 = arith.andi %ne3A_650, %ne3A_645 : i1
      %add3A_652 = arith.addi %rem3A_643, %select_n3A_642 : i32
      %select_n3A_653 = arith.select %and3A_651, %add3A_652, %rem3A_643 : i32
      %mul3A_654 = arith.constant 128 : i32
      %mul3A_655 = arith.muli %select_n3A_653, %mul3A_654 : i32
      %dma_start3A_656 = tpu.memref_slice %arg5[%select_n3A_637, %mul3A_655] : memref<50x512xi32, #tpu.memory_space<vmem>> -> memref<1x128xi32, #tpu.memory_space<vmem>>
      %dma_start3A_657 = tpu.memref_squeeze %dma_start3A_656 : memref<1x128xi32, #tpu.memory_space<vmem>> -> memref<128xi32, #tpu.memory_space<vmem>>
      %dma_start3A_658 = arith.constant 0 : i32
      %dma_start3A_659 = arith.constant 0 : i32
      %dma_start3A_660 = tpu.memref_slice %arg3[%dma_start3A_658, %dma_start3A_659] : memref<2000000x64xf32, #tpu.memory_space<hbm>> -> memref<2000000x64xf32, #tpu.memory_space<hbm>>
      tpu.enqueue_indirect_dma source(%dma_start3A_660 : memref<2000000x64xf32, #tpu.memory_space<hbm>>) target(%arg13 : memref<128x64xf32, #tpu.memory_space<vmem>>) offsets(%dma_start3A_657 : memref<128xi32, #tpu.memory_space<vmem>>) semaphore(%arg21 : memref<!tpu.dma_semaphore, #tpu.memory_space<semaphore_mem>>)
      %sub3A_661 = arith.constant 8 : i32
      %sub3A_662 = arith.subi %add3A_608, %sub3A_661 : i32
      %add3A_663 = arith.constant 1 : i32
      %add3A_664 = arith.addi %sub3A_662, %add3A_663 : i32
      %jit3A_665 = arith.constant 4 : i32
      %div3A_666 = arith.divsi %add3A_664, %jit3A_665 : i32
      %sign3A_667 = arith.constant 0 : i32
      %sign3A_668 = arith.cmpi sgt, %add3A_664, %sign3A_667 : i32
      %sign3A_669 = arith.extui %sign3A_668 : i1 to i32
      %sign3A_670 = arith.constant 0 : i32
      %sign3A_671 = arith.cmpi slt, %add3A_664, %sign3A_670 : i32
      %sign3A_672 = arith.extui %sign3A_671 : i1 to i32
      %sign3A_673 = arith.subi %sign3A_669, %sign3A_672 : i32
      %sign3A_674 = arith.constant 0 : i32
      %sign3A_675 = arith.cmpi sgt, %jit3A_665, %sign3A_674 : i32
      %sign3A_676 = arith.extui %sign3A_675 : i1 to i32
      %sign3A_677 = arith.constant 0 : i32
      %sign3A_678 = arith.cmpi slt, %jit3A_665, %sign3A_677 : i32
      %sign3A_679 = arith.extui %sign3A_678 : i1 to i32
      %sign3A_680 = arith.subi %sign3A_676, %sign3A_679 : i32
      %ne3A_681 = arith.cmpi ne, %sign3A_673, %sign3A_680 : i32
      %rem3A_682 = arith.remsi %add3A_664, %jit3A_665 : i32
      %ne3A_683 = arith.constant 0 : i32
      %ne3A_684 = arith.cmpi ne, %rem3A_682, %ne3A_683 : i32
      %and3A_685 = arith.andi %ne3A_681, %ne3A_684 : i1
      %sub3A_686 = arith.constant 1 : i32
      %sub3A_687 = arith.subi %div3A_666, %sub3A_686 : i32
      %select_n3A_688 = arith.select %and3A_685, %sub3A_687, %div3A_666 : i32
      %jit3A_689 = arith.constant 4 : i32
      %eq3A_690 = arith.constant 0 : i32
      %eq3A_691 = arith.cmpi eq, %jit3A_689, %eq3A_690 : i32
      %jit3A_692 = arith.constant 1 : i32
      %select_n3A_693 = arith.select %eq3A_691, %jit3A_692, %jit3A_689 : i32
      %rem3A_694 = arith.remsi %add3A_664, %select_n3A_693 : i32
      %ne3A_695 = arith.constant 0 : i32
      %ne3A_696 = arith.cmpi ne, %rem3A_694, %ne3A_695 : i32
      %lt3A_697 = arith.constant 0 : i32
      %lt3A_698 = arith.cmpi slt, %rem3A_694, %lt3A_697 : i32
      %lt3A_699 = arith.constant 0 : i32
      %lt3A_700 = arith.cmpi slt, %select_n3A_693, %lt3A_699 : i32
      %ne3A_701 = arith.xori %lt3A_698, %lt3A_700 : i1
      %and3A_702 = arith.andi %ne3A_701, %ne3A_696 : i1
      %add3A_703 = arith.addi %rem3A_694, %select_n3A_693 : i32
      %select_n3A_704 = arith.select %and3A_702, %add3A_703, %rem3A_694 : i32
      %mul3A_705 = arith.constant 128 : i32
      %mul3A_706 = arith.muli %select_n3A_704, %mul3A_705 : i32
      %dma_wait3A_707 = tpu.memref_slice %arg5[%select_n3A_688, %mul3A_706] : memref<50x512xi32, #tpu.memory_space<vmem>> -> memref<1x128xi32, #tpu.memory_space<vmem>>
      %dma_wait3A_708 = tpu.memref_squeeze %dma_wait3A_707 : memref<1x128xi32, #tpu.memory_space<vmem>> -> memref<128xi32, #tpu.memory_space<vmem>>
      %dma_wait3A_709 = arith.constant 0 : i32
      %dma_wait3A_710 = arith.constant 0 : i32
      %dma_wait3A_711 = tpu.memref_slice %arg3[%dma_wait3A_709, %dma_wait3A_710] : memref<2000000x64xf32, #tpu.memory_space<hbm>> -> memref<2000000x64xf32, #tpu.memory_space<hbm>>
      tpu.wait_indirect_dma semaphore(%arg14 : memref<!tpu.dma_semaphore, #tpu.memory_space<semaphore_mem>>) src(%dma_wait3A_711 : memref<2000000x64xf32, #tpu.memory_space<hbm>>) dst(%arg6 : memref<128x64xf32, #tpu.memory_space<vmem>>)
      %sub3A_712 = arith.constant 8 : i32
      %sub3A_713 = arith.subi %add3A_608, %sub3A_712 : i32
      %add3A_714 = arith.constant 1 : i32
      %add3A_715 = arith.addi %sub3A_713, %add3A_714 : i32
      %jit3A_716 = arith.constant 4 : i32
      %div3A_717 = arith.divsi %add3A_715, %jit3A_716 : i32
      %sign3A_718 = arith.constant 0 : i32
      %sign3A_719 = arith.cmpi sgt, %add3A_715, %sign3A_718 : i32
      %sign3A_720 = arith.extui %sign3A_719 : i1 to i32
      %sign3A_721 = arith.constant 0 : i32
      %sign3A_722 = arith.cmpi slt, %add3A_715, %sign3A_721 : i32
      %sign3A_723 = arith.extui %sign3A_722 : i1 to i32
      %sign3A_724 = arith.subi %sign3A_720, %sign3A_723 : i32
      %sign3A_725 = arith.constant 0 : i32
      %sign3A_726 = arith.cmpi sgt, %jit3A_716, %sign3A_725 : i32
      %sign3A_727 = arith.extui %sign3A_726 : i1 to i32
      %sign3A_728 = arith.constant 0 : i32
      %sign3A_729 = arith.cmpi slt, %jit3A_716, %sign3A_728 : i32
      %sign3A_730 = arith.extui %sign3A_729 : i1 to i32
      %sign3A_731 = arith.subi %sign3A_727, %sign3A_730 : i32
      %ne3A_732 = arith.cmpi ne, %sign3A_724, %sign3A_731 : i32
      %rem3A_733 = arith.remsi %add3A_715, %jit3A_716 : i32
      %ne3A_734 = arith.constant 0 : i32
      %ne3A_735 = arith.cmpi ne, %rem3A_733, %ne3A_734 : i32
      %and3A_736 = arith.andi %ne3A_732, %ne3A_735 : i1
      %sub3A_737 = arith.constant 1 : i32
      %sub3A_738 = arith.subi %div3A_717, %sub3A_737 : i32
      %select_n3A_739 = arith.select %and3A_736, %sub3A_738, %div3A_717 : i32
      %jit3A_740 = arith.constant 4 : i32
      %eq3A_741 = arith.constant 0 : i32
      %eq3A_742 = arith.cmpi eq, %jit3A_740, %eq3A_741 : i32
      %jit3A_743 = arith.constant 1 : i32
      %select_n3A_744 = arith.select %eq3A_742, %jit3A_743, %jit3A_740 : i32
      %rem3A_745 = arith.remsi %add3A_715, %select_n3A_744 : i32
      %ne3A_746 = arith.constant 0 : i32
      %ne3A_747 = arith.cmpi ne, %rem3A_745, %ne3A_746 : i32
      %lt3A_748 = arith.constant 0 : i32
      %lt3A_749 = arith.cmpi slt, %rem3A_745, %lt3A_748 : i32
      %lt3A_750 = arith.constant 0 : i32
      %lt3A_751 = arith.cmpi slt, %select_n3A_744, %lt3A_750 : i32
      %ne3A_752 = arith.xori %lt3A_749, %lt3A_751 : i1
      %and3A_753 = arith.andi %ne3A_752, %ne3A_747 : i1
      %add3A_754 = arith.addi %rem3A_745, %select_n3A_744 : i32
      %select_n3A_755 = arith.select %and3A_753, %add3A_754, %rem3A_745 : i32
      %mul3A_756 = arith.constant 128 : i32
      %mul3A_757 = arith.muli %select_n3A_755, %mul3A_756 : i32
      %add3A_758 = arith.addi %mul3A_2, %mul3A_757 : i32
      %dma_start3A_759 = arith.constant 0 : i32
      %dma_start3A_760 = tpu.memref_slice %arg4[%select_n3A_739, %add3A_758, %dma_start3A_759] : memref<50x16384x64xf32, #tpu.memory_space<hbm>> -> memref<1x128x64xf32, #tpu.memory_space<hbm>>
      %dma_start3A_761 = tpu.memref_squeeze %dma_start3A_760 : memref<1x128x64xf32, #tpu.memory_space<hbm>> -> memref<128x64xf32, #tpu.memory_space<hbm>>
      %dma_start3A_762 = arith.constant 0 : i32
      %dma_start3A_763 = tpu.memref_slice %arg4[%select_n3A_739, %add3A_758, %dma_start3A_762] : memref<50x16384x64xf32, #tpu.memory_space<hbm>> -> memref<1x128x64xf32, #tpu.memory_space<hbm>>
      %dma_start3A_764 = tpu.memref_squeeze %dma_start3A_763 : memref<1x128x64xf32, #tpu.memory_space<hbm>> -> memref<128x64xf32, #tpu.memory_space<hbm>>
      tpu.enqueue_dma source(%arg6 : memref<128x64xf32, #tpu.memory_space<vmem>>) target(%dma_start3A_764 : memref<128x64xf32, #tpu.memory_space<hbm>>) target_semaphore(%arg22 : memref<!tpu.dma_semaphore, #tpu.memory_space<semaphore_mem>>)
    }
    %scan3A_7 = arith.constant 25 : i32
    %dma_wait3A = arith.constant 48 : i32
    %dma_wait3A_8 = arith.constant 128 : i32
    %dma_wait3A_9 = tpu.memref_slice %arg5[%dma_wait3A, %dma_wait3A_8] : memref<50x512xi32, #tpu.memory_space<vmem>> -> memref<1x128xi32, #tpu.memory_space<vmem>>
    %dma_wait3A_10 = tpu.memref_squeeze %dma_wait3A_9 : memref<1x128xi32, #tpu.memory_space<vmem>> -> memref<128xi32, #tpu.memory_space<vmem>>
    %dma_wait3A_11 = arith.constant 0 : i32
    %dma_wait3A_12 = arith.constant 0 : i32
    %dma_wait3A_13 = tpu.memref_slice %arg3[%dma_wait3A_11, %dma_wait3A_12] : memref<2000000x64xf32, #tpu.memory_space<hbm>> -> memref<2000000x64xf32, #tpu.memory_space<hbm>>
    tpu.wait_indirect_dma semaphore(%arg15 : memref<!tpu.dma_semaphore, #tpu.memory_space<semaphore_mem>>) src(%dma_wait3A_13 : memref<2000000x64xf32, #tpu.memory_space<hbm>>) dst(%arg7 : memref<128x64xf32, #tpu.memory_space<vmem>>)
    %add3A_14 = arith.constant 128 : i32
    %add3A_15 = arith.addi %mul3A_2, %add3A_14 : i32
    %dma_start3A = arith.constant 48 : i32
    %dma_start3A_16 = arith.constant 0 : i32
    %dma_start3A_17 = tpu.memref_slice %arg4[%dma_start3A, %add3A_15, %dma_start3A_16] : memref<50x16384x64xf32, #tpu.memory_space<hbm>> -> memref<1x128x64xf32, #tpu.memory_space<hbm>>
    %dma_start3A_18 = tpu.memref_squeeze %dma_start3A_17 : memref<1x128x64xf32, #tpu.memory_space<hbm>> -> memref<128x64xf32, #tpu.memory_space<hbm>>
    %dma_start3A_19 = arith.constant 0 : i32
    %dma_start3A_20 = tpu.memref_slice %arg4[%dma_start3A, %add3A_15, %dma_start3A_19] : memref<50x16384x64xf32, #tpu.memory_space<hbm>> -> memref<1x128x64xf32, #tpu.memory_space<hbm>>
    %dma_start3A_21 = tpu.memref_squeeze %dma_start3A_20 : memref<1x128x64xf32, #tpu.memory_space<hbm>> -> memref<128x64xf32, #tpu.memory_space<hbm>>
    tpu.enqueue_dma source(%arg7 : memref<128x64xf32, #tpu.memory_space<vmem>>) target(%dma_start3A_21 : memref<128x64xf32, #tpu.memory_space<hbm>>) target_semaphore(%arg23 : memref<!tpu.dma_semaphore, #tpu.memory_space<semaphore_mem>>)
    %dma_wait3A_22 = arith.constant 48 : i32
    %dma_wait3A_23 = arith.constant 256 : i32
    %dma_wait3A_24 = tpu.memref_slice %arg5[%dma_wait3A_22, %dma_wait3A_23] : memref<50x512xi32, #tpu.memory_space<vmem>> -> memref<1x128xi32, #tpu.memory_space<vmem>>
    %dma_wait3A_25 = tpu.memref_squeeze %dma_wait3A_24 : memref<1x128xi32, #tpu.memory_space<vmem>> -> memref<128xi32, #tpu.memory_space<vmem>>
    %dma_wait3A_26 = arith.constant 0 : i32
    %dma_wait3A_27 = arith.constant 0 : i32
    %dma_wait3A_28 = tpu.memref_slice %arg3[%dma_wait3A_26, %dma_wait3A_27] : memref<2000000x64xf32, #tpu.memory_space<hbm>> -> memref<2000000x64xf32, #tpu.memory_space<hbm>>
    tpu.wait_indirect_dma semaphore(%arg16 : memref<!tpu.dma_semaphore, #tpu.memory_space<semaphore_mem>>) src(%dma_wait3A_28 : memref<2000000x64xf32, #tpu.memory_space<hbm>>) dst(%arg8 : memref<128x64xf32, #tpu.memory_space<vmem>>)
    %add3A_29 = arith.constant 256 : i32
    %add3A_30 = arith.addi %mul3A_2, %add3A_29 : i32
    %dma_start3A_31 = arith.constant 48 : i32
    %dma_start3A_32 = arith.constant 0 : i32
    %dma_start3A_33 = tpu.memref_slice %arg4[%dma_start3A_31, %add3A_30, %dma_start3A_32] : memref<50x16384x64xf32, #tpu.memory_space<hbm>> -> memref<1x128x64xf32, #tpu.memory_space<hbm>>
    %dma_start3A_34 = tpu.memref_squeeze %dma_start3A_33 : memref<1x128x64xf32, #tpu.memory_space<hbm>> -> memref<128x64xf32, #tpu.memory_space<hbm>>
    %dma_start3A_35 = arith.constant 0 : i32
    %dma_start3A_36 = tpu.memref_slice %arg4[%dma_start3A_31, %add3A_30, %dma_start3A_35] : memref<50x16384x64xf32, #tpu.memory_space<hbm>> -> memref<1x128x64xf32, #tpu.memory_space<hbm>>
    %dma_start3A_37 = tpu.memref_squeeze %dma_start3A_36 : memref<1x128x64xf32, #tpu.memory_space<hbm>> -> memref<128x64xf32, #tpu.memory_space<hbm>>
    tpu.enqueue_dma source(%arg8 : memref<128x64xf32, #tpu.memory_space<vmem>>) target(%dma_start3A_37 : memref<128x64xf32, #tpu.memory_space<hbm>>) target_semaphore(%arg24 : memref<!tpu.dma_semaphore, #tpu.memory_space<semaphore_mem>>)
    %dma_wait3A_38 = arith.constant 48 : i32
    %dma_wait3A_39 = arith.constant 384 : i32
    %dma_wait3A_40 = tpu.memref_slice %arg5[%dma_wait3A_38, %dma_wait3A_39] : memref<50x512xi32, #tpu.memory_space<vmem>> -> memref<1x128xi32, #tpu.memory_space<vmem>>
    %dma_wait3A_41 = tpu.memref_squeeze %dma_wait3A_40 : memref<1x128xi32, #tpu.memory_space<vmem>> -> memref<128xi32, #tpu.memory_space<vmem>>
    %dma_wait3A_42 = arith.constant 0 : i32
    %dma_wait3A_43 = arith.constant 0 : i32
    %dma_wait3A_44 = tpu.memref_slice %arg3[%dma_wait3A_42, %dma_wait3A_43] : memref<2000000x64xf32, #tpu.memory_space<hbm>> -> memref<2000000x64xf32, #tpu.memory_space<hbm>>
    tpu.wait_indirect_dma semaphore(%arg17 : memref<!tpu.dma_semaphore, #tpu.memory_space<semaphore_mem>>) src(%dma_wait3A_44 : memref<2000000x64xf32, #tpu.memory_space<hbm>>) dst(%arg9 : memref<128x64xf32, #tpu.memory_space<vmem>>)
    %add3A_45 = arith.constant 384 : i32
    %add3A_46 = arith.addi %mul3A_2, %add3A_45 : i32
    %dma_start3A_47 = arith.constant 48 : i32
    %dma_start3A_48 = arith.constant 0 : i32
    %dma_start3A_49 = tpu.memref_slice %arg4[%dma_start3A_47, %add3A_46, %dma_start3A_48] : memref<50x16384x64xf32, #tpu.memory_space<hbm>> -> memref<1x128x64xf32, #tpu.memory_space<hbm>>
    %dma_start3A_50 = tpu.memref_squeeze %dma_start3A_49 : memref<1x128x64xf32, #tpu.memory_space<hbm>> -> memref<128x64xf32, #tpu.memory_space<hbm>>
    %dma_start3A_51 = arith.constant 0 : i32
    %dma_start3A_52 = tpu.memref_slice %arg4[%dma_start3A_47, %add3A_46, %dma_start3A_51] : memref<50x16384x64xf32, #tpu.memory_space<hbm>> -> memref<1x128x64xf32, #tpu.memory_space<hbm>>
    %dma_start3A_53 = tpu.memref_squeeze %dma_start3A_52 : memref<1x128x64xf32, #tpu.memory_space<hbm>> -> memref<128x64xf32, #tpu.memory_space<hbm>>
    tpu.enqueue_dma source(%arg9 : memref<128x64xf32, #tpu.memory_space<vmem>>) target(%dma_start3A_53 : memref<128x64xf32, #tpu.memory_space<hbm>>) target_semaphore(%arg25 : memref<!tpu.dma_semaphore, #tpu.memory_space<semaphore_mem>>)
    %dma_wait3A_54 = arith.constant 49 : i32
    %dma_wait3A_55 = arith.constant 0 : i32
    %dma_wait3A_56 = tpu.memref_slice %arg5[%dma_wait3A_54, %dma_wait3A_55] : memref<50x512xi32, #tpu.memory_space<vmem>> -> memref<1x128xi32, #tpu.memory_space<vmem>>
    %dma_wait3A_57 = tpu.memref_squeeze %dma_wait3A_56 : memref<1x128xi32, #tpu.memory_space<vmem>> -> memref<128xi32, #tpu.memory_space<vmem>>
    %dma_wait3A_58 = arith.constant 0 : i32
    %dma_wait3A_59 = arith.constant 0 : i32
    %dma_wait3A_60 = tpu.memref_slice %arg3[%dma_wait3A_58, %dma_wait3A_59] : memref<2000000x64xf32, #tpu.memory_space<hbm>> -> memref<2000000x64xf32, #tpu.memory_space<hbm>>
    tpu.wait_indirect_dma semaphore(%arg18 : memref<!tpu.dma_semaphore, #tpu.memory_space<semaphore_mem>>) src(%dma_wait3A_60 : memref<2000000x64xf32, #tpu.memory_space<hbm>>) dst(%arg10 : memref<128x64xf32, #tpu.memory_space<vmem>>)
    %add3A_61 = arith.constant 0 : i32
    %add3A_62 = arith.addi %mul3A_2, %add3A_61 : i32
    %dma_start3A_63 = arith.constant 49 : i32
    %dma_start3A_64 = arith.constant 0 : i32
    %dma_start3A_65 = tpu.memref_slice %arg4[%dma_start3A_63, %add3A_62, %dma_start3A_64] : memref<50x16384x64xf32, #tpu.memory_space<hbm>> -> memref<1x128x64xf32, #tpu.memory_space<hbm>>
    %dma_start3A_66 = tpu.memref_squeeze %dma_start3A_65 : memref<1x128x64xf32, #tpu.memory_space<hbm>> -> memref<128x64xf32, #tpu.memory_space<hbm>>
    %dma_start3A_67 = arith.constant 0 : i32
    %dma_start3A_68 = tpu.memref_slice %arg4[%dma_start3A_63, %add3A_62, %dma_start3A_67] : memref<50x16384x64xf32, #tpu.memory_space<hbm>> -> memref<1x128x64xf32, #tpu.memory_space<hbm>>
    %dma_start3A_69 = tpu.memref_squeeze %dma_start3A_68 : memref<1x128x64xf32, #tpu.memory_space<hbm>> -> memref<128x64xf32, #tpu.memory_space<hbm>>
    tpu.enqueue_dma source(%arg10 : memref<128x64xf32, #tpu.memory_space<vmem>>) target(%dma_start3A_69 : memref<128x64xf32, #tpu.memory_space<hbm>>) target_semaphore(%arg26 : memref<!tpu.dma_semaphore, #tpu.memory_space<semaphore_mem>>)
    %dma_wait3A_70 = arith.constant 49 : i32
    %dma_wait3A_71 = arith.constant 128 : i32
    %dma_wait3A_72 = tpu.memref_slice %arg5[%dma_wait3A_70, %dma_wait3A_71] : memref<50x512xi32, #tpu.memory_space<vmem>> -> memref<1x128xi32, #tpu.memory_space<vmem>>
    %dma_wait3A_73 = tpu.memref_squeeze %dma_wait3A_72 : memref<1x128xi32, #tpu.memory_space<vmem>> -> memref<128xi32, #tpu.memory_space<vmem>>
    %dma_wait3A_74 = arith.constant 0 : i32
    %dma_wait3A_75 = arith.constant 0 : i32
    %dma_wait3A_76 = tpu.memref_slice %arg3[%dma_wait3A_74, %dma_wait3A_75] : memref<2000000x64xf32, #tpu.memory_space<hbm>> -> memref<2000000x64xf32, #tpu.memory_space<hbm>>
    tpu.wait_indirect_dma semaphore(%arg19 : memref<!tpu.dma_semaphore, #tpu.memory_space<semaphore_mem>>) src(%dma_wait3A_76 : memref<2000000x64xf32, #tpu.memory_space<hbm>>) dst(%arg11 : memref<128x64xf32, #tpu.memory_space<vmem>>)
    %add3A_77 = arith.constant 128 : i32
    %add3A_78 = arith.addi %mul3A_2, %add3A_77 : i32
    %dma_start3A_79 = arith.constant 49 : i32
    %dma_start3A_80 = arith.constant 0 : i32
    %dma_start3A_81 = tpu.memref_slice %arg4[%dma_start3A_79, %add3A_78, %dma_start3A_80] : memref<50x16384x64xf32, #tpu.memory_space<hbm>> -> memref<1x128x64xf32, #tpu.memory_space<hbm>>
    %dma_start3A_82 = tpu.memref_squeeze %dma_start3A_81 : memref<1x128x64xf32, #tpu.memory_space<hbm>> -> memref<128x64xf32, #tpu.memory_space<hbm>>
    %dma_start3A_83 = arith.constant 0 : i32
    %dma_start3A_84 = tpu.memref_slice %arg4[%dma_start3A_79, %add3A_78, %dma_start3A_83] : memref<50x16384x64xf32, #tpu.memory_space<hbm>> -> memref<1x128x64xf32, #tpu.memory_space<hbm>>
    %dma_start3A_85 = tpu.memref_squeeze %dma_start3A_84 : memref<1x128x64xf32, #tpu.memory_space<hbm>> -> memref<128x64xf32, #tpu.memory_space<hbm>>
    tpu.enqueue_dma source(%arg11 : memref<128x64xf32, #tpu.memory_space<vmem>>) target(%dma_start3A_85 : memref<128x64xf32, #tpu.memory_space<hbm>>) target_semaphore(%arg27 : memref<!tpu.dma_semaphore, #tpu.memory_space<semaphore_mem>>)
    %dma_wait3A_86 = arith.constant 49 : i32
    %dma_wait3A_87 = arith.constant 256 : i32
    %dma_wait3A_88 = tpu.memref_slice %arg5[%dma_wait3A_86, %dma_wait3A_87] : memref<50x512xi32, #tpu.memory_space<vmem>> -> memref<1x128xi32, #tpu.memory_space<vmem>>
    %dma_wait3A_89 = tpu.memref_squeeze %dma_wait3A_88 : memref<1x128xi32, #tpu.memory_space<vmem>> -> memref<128xi32, #tpu.memory_space<vmem>>
    %dma_wait3A_90 = arith.constant 0 : i32
    %dma_wait3A_91 = arith.constant 0 : i32
    %dma_wait3A_92 = tpu.memref_slice %arg3[%dma_wait3A_90, %dma_wait3A_91] : memref<2000000x64xf32, #tpu.memory_space<hbm>> -> memref<2000000x64xf32, #tpu.memory_space<hbm>>
    tpu.wait_indirect_dma semaphore(%arg20 : memref<!tpu.dma_semaphore, #tpu.memory_space<semaphore_mem>>) src(%dma_wait3A_92 : memref<2000000x64xf32, #tpu.memory_space<hbm>>) dst(%arg12 : memref<128x64xf32, #tpu.memory_space<vmem>>)
    %add3A_93 = arith.constant 256 : i32
    %add3A_94 = arith.addi %mul3A_2, %add3A_93 : i32
    %dma_start3A_95 = arith.constant 49 : i32
    %dma_start3A_96 = arith.constant 0 : i32
    %dma_start3A_97 = tpu.memref_slice %arg4[%dma_start3A_95, %add3A_94, %dma_start3A_96] : memref<50x16384x64xf32, #tpu.memory_space<hbm>> -> memref<1x128x64xf32, #tpu.memory_space<hbm>>
    %dma_start3A_98 = tpu.memref_squeeze %dma_start3A_97 : memref<1x128x64xf32, #tpu.memory_space<hbm>> -> memref<128x64xf32, #tpu.memory_space<hbm>>
    %dma_start3A_99 = arith.constant 0 : i32
    %dma_start3A_100 = tpu.memref_slice %arg4[%dma_start3A_95, %add3A_94, %dma_start3A_99] : memref<50x16384x64xf32, #tpu.memory_space<hbm>> -> memref<1x128x64xf32, #tpu.memory_space<hbm>>
    %dma_start3A_101 = tpu.memref_squeeze %dma_start3A_100 : memref<1x128x64xf32, #tpu.memory_space<hbm>> -> memref<128x64xf32, #tpu.memory_space<hbm>>
    tpu.enqueue_dma source(%arg12 : memref<128x64xf32, #tpu.memory_space<vmem>>) target(%dma_start3A_101 : memref<128x64xf32, #tpu.memory_space<hbm>>) target_semaphore(%arg28 : memref<!tpu.dma_semaphore, #tpu.memory_space<semaphore_mem>>)
    %dma_wait3A_102 = arith.constant 49 : i32
    %dma_wait3A_103 = arith.constant 384 : i32
    %dma_wait3A_104 = tpu.memref_slice %arg5[%dma_wait3A_102, %dma_wait3A_103] : memref<50x512xi32, #tpu.memory_space<vmem>> -> memref<1x128xi32, #tpu.memory_space<vmem>>
    %dma_wait3A_105 = tpu.memref_squeeze %dma_wait3A_104 : memref<1x128xi32, #tpu.memory_space<vmem>> -> memref<128xi32, #tpu.memory_space<vmem>>
    %dma_wait3A_106 = arith.constant 0 : i32
    %dma_wait3A_107 = arith.constant 0 : i32
    %dma_wait3A_108 = tpu.memref_slice %arg3[%dma_wait3A_106, %dma_wait3A_107] : memref<2000000x64xf32, #tpu.memory_space<hbm>> -> memref<2000000x64xf32, #tpu.memory_space<hbm>>
    tpu.wait_indirect_dma semaphore(%arg21 : memref<!tpu.dma_semaphore, #tpu.memory_space<semaphore_mem>>) src(%dma_wait3A_108 : memref<2000000x64xf32, #tpu.memory_space<hbm>>) dst(%arg13 : memref<128x64xf32, #tpu.memory_space<vmem>>)
    %add3A_109 = arith.constant 384 : i32
    %add3A_110 = arith.addi %mul3A_2, %add3A_109 : i32
    %dma_start3A_111 = arith.constant 49 : i32
    %dma_start3A_112 = arith.constant 0 : i32
    %dma_start3A_113 = tpu.memref_slice %arg4[%dma_start3A_111, %add3A_110, %dma_start3A_112] : memref<50x16384x64xf32, #tpu.memory_space<hbm>> -> memref<1x128x64xf32, #tpu.memory_space<hbm>>
    %dma_start3A_114 = tpu.memref_squeeze %dma_start3A_113 : memref<1x128x64xf32, #tpu.memory_space<hbm>> -> memref<128x64xf32, #tpu.memory_space<hbm>>
    %dma_start3A_115 = arith.constant 0 : i32
    %dma_start3A_116 = tpu.memref_slice %arg4[%dma_start3A_111, %add3A_110, %dma_start3A_115] : memref<50x16384x64xf32, #tpu.memory_space<hbm>> -> memref<1x128x64xf32, #tpu.memory_space<hbm>>
    %dma_start3A_117 = tpu.memref_squeeze %dma_start3A_116 : memref<1x128x64xf32, #tpu.memory_space<hbm>> -> memref<128x64xf32, #tpu.memory_space<hbm>>
    tpu.enqueue_dma source(%arg13 : memref<128x64xf32, #tpu.memory_space<vmem>>) target(%dma_start3A_117 : memref<128x64xf32, #tpu.memory_space<hbm>>) target_semaphore(%arg29 : memref<!tpu.dma_semaphore, #tpu.memory_space<semaphore_mem>>)
    %add3A_118 = arith.constant 0 : i32
    %add3A_119 = arith.addi %mul3A_2, %add3A_118 : i32
    %dma_wait3A_120 = arith.constant 48 : i32
    %dma_wait3A_121 = arith.constant 0 : i32
    %dma_wait3A_122 = tpu.memref_slice %arg4[%dma_wait3A_120, %add3A_119, %dma_wait3A_121] : memref<50x16384x64xf32, #tpu.memory_space<hbm>> -> memref<1x128x64xf32, #tpu.memory_space<hbm>>
    %dma_wait3A_123 = tpu.memref_squeeze %dma_wait3A_122 : memref<1x128x64xf32, #tpu.memory_space<hbm>> -> memref<128x64xf32, #tpu.memory_space<hbm>>
    %dma_wait3A_124 = arith.constant 0 : i32
    %dma_wait3A_125 = tpu.memref_slice %arg4[%dma_wait3A_120, %add3A_119, %dma_wait3A_124] : memref<50x16384x64xf32, #tpu.memory_space<hbm>> -> memref<1x128x64xf32, #tpu.memory_space<hbm>>
    %dma_wait3A_126 = tpu.memref_squeeze %dma_wait3A_125 : memref<1x128x64xf32, #tpu.memory_space<hbm>> -> memref<128x64xf32, #tpu.memory_space<hbm>>
    tpu.wait_dma2 semaphore(%arg22 : memref<!tpu.dma_semaphore, #tpu.memory_space<semaphore_mem>>) src(%arg6 : memref<128x64xf32, #tpu.memory_space<vmem>>) dst(%dma_wait3A_126 : memref<128x64xf32, #tpu.memory_space<hbm>>)
    %add3A_127 = arith.constant 128 : i32
    %add3A_128 = arith.addi %mul3A_2, %add3A_127 : i32
    %dma_wait3A_129 = arith.constant 48 : i32
    %dma_wait3A_130 = arith.constant 0 : i32
    %dma_wait3A_131 = tpu.memref_slice %arg4[%dma_wait3A_129, %add3A_128, %dma_wait3A_130] : memref<50x16384x64xf32, #tpu.memory_space<hbm>> -> memref<1x128x64xf32, #tpu.memory_space<hbm>>
    %dma_wait3A_132 = tpu.memref_squeeze %dma_wait3A_131 : memref<1x128x64xf32, #tpu.memory_space<hbm>> -> memref<128x64xf32, #tpu.memory_space<hbm>>
    %dma_wait3A_133 = arith.constant 0 : i32
    %dma_wait3A_134 = tpu.memref_slice %arg4[%dma_wait3A_129, %add3A_128, %dma_wait3A_133] : memref<50x16384x64xf32, #tpu.memory_space<hbm>> -> memref<1x128x64xf32, #tpu.memory_space<hbm>>
    %dma_wait3A_135 = tpu.memref_squeeze %dma_wait3A_134 : memref<1x128x64xf32, #tpu.memory_space<hbm>> -> memref<128x64xf32, #tpu.memory_space<hbm>>
    tpu.wait_dma2 semaphore(%arg23 : memref<!tpu.dma_semaphore, #tpu.memory_space<semaphore_mem>>) src(%arg7 : memref<128x64xf32, #tpu.memory_space<vmem>>) dst(%dma_wait3A_135 : memref<128x64xf32, #tpu.memory_space<hbm>>)
    %add3A_136 = arith.constant 256 : i32
    %add3A_137 = arith.addi %mul3A_2, %add3A_136 : i32
    %dma_wait3A_138 = arith.constant 48 : i32
    %dma_wait3A_139 = arith.constant 0 : i32
    %dma_wait3A_140 = tpu.memref_slice %arg4[%dma_wait3A_138, %add3A_137, %dma_wait3A_139] : memref<50x16384x64xf32, #tpu.memory_space<hbm>> -> memref<1x128x64xf32, #tpu.memory_space<hbm>>
    %dma_wait3A_141 = tpu.memref_squeeze %dma_wait3A_140 : memref<1x128x64xf32, #tpu.memory_space<hbm>> -> memref<128x64xf32, #tpu.memory_space<hbm>>
    %dma_wait3A_142 = arith.constant 0 : i32
    %dma_wait3A_143 = tpu.memref_slice %arg4[%dma_wait3A_138, %add3A_137, %dma_wait3A_142] : memref<50x16384x64xf32, #tpu.memory_space<hbm>> -> memref<1x128x64xf32, #tpu.memory_space<hbm>>
    %dma_wait3A_144 = tpu.memref_squeeze %dma_wait3A_143 : memref<1x128x64xf32, #tpu.memory_space<hbm>> -> memref<128x64xf32, #tpu.memory_space<hbm>>
    tpu.wait_dma2 semaphore(%arg24 : memref<!tpu.dma_semaphore, #tpu.memory_space<semaphore_mem>>) src(%arg8 : memref<128x64xf32, #tpu.memory_space<vmem>>) dst(%dma_wait3A_144 : memref<128x64xf32, #tpu.memory_space<hbm>>)
    %add3A_145 = arith.constant 384 : i32
    %add3A_146 = arith.addi %mul3A_2, %add3A_145 : i32
    %dma_wait3A_147 = arith.constant 48 : i32
    %dma_wait3A_148 = arith.constant 0 : i32
    %dma_wait3A_149 = tpu.memref_slice %arg4[%dma_wait3A_147, %add3A_146, %dma_wait3A_148] : memref<50x16384x64xf32, #tpu.memory_space<hbm>> -> memref<1x128x64xf32, #tpu.memory_space<hbm>>
    %dma_wait3A_150 = tpu.memref_squeeze %dma_wait3A_149 : memref<1x128x64xf32, #tpu.memory_space<hbm>> -> memref<128x64xf32, #tpu.memory_space<hbm>>
    %dma_wait3A_151 = arith.constant 0 : i32
    %dma_wait3A_152 = tpu.memref_slice %arg4[%dma_wait3A_147, %add3A_146, %dma_wait3A_151] : memref<50x16384x64xf32, #tpu.memory_space<hbm>> -> memref<1x128x64xf32, #tpu.memory_space<hbm>>
    %dma_wait3A_153 = tpu.memref_squeeze %dma_wait3A_152 : memref<1x128x64xf32, #tpu.memory_space<hbm>> -> memref<128x64xf32, #tpu.memory_space<hbm>>
    tpu.wait_dma2 semaphore(%arg25 : memref<!tpu.dma_semaphore, #tpu.memory_space<semaphore_mem>>) src(%arg9 : memref<128x64xf32, #tpu.memory_space<vmem>>) dst(%dma_wait3A_153 : memref<128x64xf32, #tpu.memory_space<hbm>>)
    %add3A_154 = arith.constant 0 : i32
    %add3A_155 = arith.addi %mul3A_2, %add3A_154 : i32
    %dma_wait3A_156 = arith.constant 49 : i32
    %dma_wait3A_157 = arith.constant 0 : i32
    %dma_wait3A_158 = tpu.memref_slice %arg4[%dma_wait3A_156, %add3A_155, %dma_wait3A_157] : memref<50x16384x64xf32, #tpu.memory_space<hbm>> -> memref<1x128x64xf32, #tpu.memory_space<hbm>>
    %dma_wait3A_159 = tpu.memref_squeeze %dma_wait3A_158 : memref<1x128x64xf32, #tpu.memory_space<hbm>> -> memref<128x64xf32, #tpu.memory_space<hbm>>
    %dma_wait3A_160 = arith.constant 0 : i32
    %dma_wait3A_161 = tpu.memref_slice %arg4[%dma_wait3A_156, %add3A_155, %dma_wait3A_160] : memref<50x16384x64xf32, #tpu.memory_space<hbm>> -> memref<1x128x64xf32, #tpu.memory_space<hbm>>
    %dma_wait3A_162 = tpu.memref_squeeze %dma_wait3A_161 : memref<1x128x64xf32, #tpu.memory_space<hbm>> -> memref<128x64xf32, #tpu.memory_space<hbm>>
    tpu.wait_dma2 semaphore(%arg26 : memref<!tpu.dma_semaphore, #tpu.memory_space<semaphore_mem>>) src(%arg10 : memref<128x64xf32, #tpu.memory_space<vmem>>) dst(%dma_wait3A_162 : memref<128x64xf32, #tpu.memory_space<hbm>>)
    %add3A_163 = arith.constant 128 : i32
    %add3A_164 = arith.addi %mul3A_2, %add3A_163 : i32
    %dma_wait3A_165 = arith.constant 49 : i32
    %dma_wait3A_166 = arith.constant 0 : i32
    %dma_wait3A_167 = tpu.memref_slice %arg4[%dma_wait3A_165, %add3A_164, %dma_wait3A_166] : memref<50x16384x64xf32, #tpu.memory_space<hbm>> -> memref<1x128x64xf32, #tpu.memory_space<hbm>>
    %dma_wait3A_168 = tpu.memref_squeeze %dma_wait3A_167 : memref<1x128x64xf32, #tpu.memory_space<hbm>> -> memref<128x64xf32, #tpu.memory_space<hbm>>
    %dma_wait3A_169 = arith.constant 0 : i32
    %dma_wait3A_170 = tpu.memref_slice %arg4[%dma_wait3A_165, %add3A_164, %dma_wait3A_169] : memref<50x16384x64xf32, #tpu.memory_space<hbm>> -> memref<1x128x64xf32, #tpu.memory_space<hbm>>
    %dma_wait3A_171 = tpu.memref_squeeze %dma_wait3A_170 : memref<1x128x64xf32, #tpu.memory_space<hbm>> -> memref<128x64xf32, #tpu.memory_space<hbm>>
    tpu.wait_dma2 semaphore(%arg27 : memref<!tpu.dma_semaphore, #tpu.memory_space<semaphore_mem>>) src(%arg11 : memref<128x64xf32, #tpu.memory_space<vmem>>) dst(%dma_wait3A_171 : memref<128x64xf32, #tpu.memory_space<hbm>>)
    %add3A_172 = arith.constant 256 : i32
    %add3A_173 = arith.addi %mul3A_2, %add3A_172 : i32
    %dma_wait3A_174 = arith.constant 49 : i32
    %dma_wait3A_175 = arith.constant 0 : i32
    %dma_wait3A_176 = tpu.memref_slice %arg4[%dma_wait3A_174, %add3A_173, %dma_wait3A_175] : memref<50x16384x64xf32, #tpu.memory_space<hbm>> -> memref<1x128x64xf32, #tpu.memory_space<hbm>>
    %dma_wait3A_177 = tpu.memref_squeeze %dma_wait3A_176 : memref<1x128x64xf32, #tpu.memory_space<hbm>> -> memref<128x64xf32, #tpu.memory_space<hbm>>
    %dma_wait3A_178 = arith.constant 0 : i32
    %dma_wait3A_179 = tpu.memref_slice %arg4[%dma_wait3A_174, %add3A_173, %dma_wait3A_178] : memref<50x16384x64xf32, #tpu.memory_space<hbm>> -> memref<1x128x64xf32, #tpu.memory_space<hbm>>
    %dma_wait3A_180 = tpu.memref_squeeze %dma_wait3A_179 : memref<1x128x64xf32, #tpu.memory_space<hbm>> -> memref<128x64xf32, #tpu.memory_space<hbm>>
    tpu.wait_dma2 semaphore(%arg28 : memref<!tpu.dma_semaphore, #tpu.memory_space<semaphore_mem>>) src(%arg12 : memref<128x64xf32, #tpu.memory_space<vmem>>) dst(%dma_wait3A_180 : memref<128x64xf32, #tpu.memory_space<hbm>>)
    %add3A_181 = arith.constant 384 : i32
    %add3A_182 = arith.addi %mul3A_2, %add3A_181 : i32
    %dma_wait3A_183 = arith.constant 49 : i32
    %dma_wait3A_184 = arith.constant 0 : i32
    %dma_wait3A_185 = tpu.memref_slice %arg4[%dma_wait3A_183, %add3A_182, %dma_wait3A_184] : memref<50x16384x64xf32, #tpu.memory_space<hbm>> -> memref<1x128x64xf32, #tpu.memory_space<hbm>>
    %dma_wait3A_186 = tpu.memref_squeeze %dma_wait3A_185 : memref<1x128x64xf32, #tpu.memory_space<hbm>> -> memref<128x64xf32, #tpu.memory_space<hbm>>
    %dma_wait3A_187 = arith.constant 0 : i32
    %dma_wait3A_188 = tpu.memref_slice %arg4[%dma_wait3A_183, %add3A_182, %dma_wait3A_187] : memref<50x16384x64xf32, #tpu.memory_space<hbm>> -> memref<1x128x64xf32, #tpu.memory_space<hbm>>
    %dma_wait3A_189 = tpu.memref_squeeze %dma_wait3A_188 : memref<1x128x64xf32, #tpu.memory_space<hbm>> -> memref<128x64xf32, #tpu.memory_space<hbm>>
    tpu.wait_dma2 semaphore(%arg29 : memref<!tpu.dma_semaphore, #tpu.memory_space<semaphore_mem>>) src(%arg13 : memref<128x64xf32, #tpu.memory_space<vmem>>) dst(%dma_wait3A_189 : memref<128x64xf32, #tpu.memory_space<hbm>>)
    return
  }
}

</mosaic_0001>

<sc_bundles>
// kernel: kernel.3.cloned.1.call-start
scs
__scs_entry_jumppad:
0x0: {  	(pc) =	sbr.rel $0x88, $3  }
0x1: {  	(tag) =	ssettag $0x0;
	lr =	simm.s32 $0x1  }
0x2: {  	[smem:$0x3F9F] =	sst lr;
	_ =	strace $0xD0000000  }
0x3: {  	_ = 	snop  }
0x4: {  	_ = 	snop  }
0x5: {  	_ = 	snop  }
0x6: {  	_ = 	snop  }
0x7: {  	_ = 	snop  }
__scs_overlays_trampoline_lowered:
0x8: {  	[smem:$0x3FAE] =	sst s0  }
0x9: {  	[smem:$0x3FAF] =	sst s1  }
0xa: {  	[smem:$0x3FB0] =	sst s2  }
0xb: {  	[smem:$0x3FB1] =	sst s3  }
0xc: {  	[smem:$0x3FB2] =	sst s4  }
0xd: {  	[smem:$0x3FB3] =	sst s5  }
0xe: {  	[smem:$0x3FB4] =	sst s6  }
0xf: {  	[smem:$0x3FB5] =	sst s7  }
0x10: {  	[smem:$0x3FB6] =	sst s8  }
0x11: {  	[smem:$0x3FB7] =	sst s9;
	s0 =	simm.s32 @!p0 $0x0  }
0x12: {  	s1 =	sld [smem:$0x3F9D];
	s0 =	simm.s32 @p0 $0x1  }
0x13: {  	[smem:$0x3FB8] =	sst s0;
	s0 =	simm.s32 @!p1 $0x0  }
0x14: {  	s2 =	sld [smem:$0x3F9C];
	s0 =	simm.s32 @p1 $0x1  }
0x15: {  	[smem:$0x3FB9] =	sst s0;
	s0 =	simm.s32 @!p2 $0x0  }
0x16: {  	s3 =	sld [smem:$0x3FDB];
	s0 =	simm.s32 @p2 $0x1  }
0x17: {  	s4 =	simm.s32 $0x1BF5;
	[smem:$0x3FBB] =	sst s0  }
0x18: {  	s0 =	sld [smem:$0x3F9E];
	_ =	swait.ge [sflag:s4], $0x0  }
0x19: {  	s7 =	sld [smem:$0x3F9F]  }
0x1a: {  	s8 =	sadd.s32 $0xFFFFE003, lr  }
0x1b: {  	s9 =	sadd.s32 $0xFFFFFEF7, lr;
	s5 =	simm.s32 $0xFFFFFFFF;
	p2 =	slt.u32 s8, $0xFFFFF086  }
0x1c: {  	p1 =	slt.u32 s9, $0xF7A;
	s5 =	simm.s32 @!p2 $0x0  }
0x1d: {  	s5 =	simm.s32 @p1 $0x1;
	p0 =	seq.s32 s7, s2  }
0x1e: {  	s7 =	smul.u32 @!p0 $0xF7A, s2;
	p2 =	seq.s32 @!p0 s5, $0x0  }
0x1f: {  	s9 =	smul.u32 $0xF7A, s1;
	s8 =	simm.s32 @!p0 $0x1BF5;
	p2 =	por !p2, p0  }
0x20: {  	[sflag:s8] =	ssyncset.s32 @!p0 $0xFFFFF086;
	s6 =	sadd.s32 @!p0 s3, s7;
	s7 =	simm.s32 @!p0 $0x108  }
0x21: {  	s3 =	sadd.s32 s3, s9;
	s6 =	sadd.s32 @!p0 $0x88, s6;
	s7 =	simm.s32 @p2 $0x1082  }
0x22: {  	[simem:s7], [sflag:s8] =	dma.local @!p0 [hbm:s6], $0xF7A  }
0x23: {  	s9 =	sor.u32 $0xD0000000, s2;
	s6 =	simm.s32 $0x108;
	_ =	swait.ge @!p0 [sflag:s8], $0x0  }
0x24: {  	s3 =	sadd.s32 $0x88, s3;
	s6 =	simm.s32 @!p1 $0x1082;
	[sflag:s4] =	ssyncset.s32 $0xFFFFF086  }
0x25: {  	[simem:s6], [sflag:s4] =	dma.local [hbm:s3], $0xF7A  }
0x26: {  	[smem:$0x3F9F] =	sst s1;
	(tag) =	ssettag s2;
	_ =	strace s9  }
0x27: {  	s1 =	sld [smem:$0x3FAF]  }
0x28: {  	s2 =	sld [smem:$0x3FB0]  }
0x29: {  	s4 =	sld [smem:$0x3FB2]  }
0x2a: {  	p0 =	seq.s32 s5, $0x0;
	s5 =	sld [smem:$0x3FB3]  }
0x2b: {  	s6 =	sld [smem:$0x3FB4]  }
0x2c: {  	s7 =	sld [smem:$0x3FB5]  }
0x2d: {  	s3 =	simm.s32 $0x108;
	s8 =	sld [smem:$0x3FB6]  }
0x2e: {  	s3 =	simm.s32 @!p0 $0x1082;
	s9 =	sld [smem:$0x3FB7]  }
0x2f: {  	lr =	sadd.s32 s0, s3;
	s0 =	sld [smem:$0x3FAE]  }
0x30: {  	s3 =	sld [smem:$0x3FB1]  }
0x31: {  	[smem:$0x3FBA] =	sst s10  }
0x32: {  	s10 =	sld [smem:$0x3FB8];
	_ =	sdelay $0x3  }
0x33: {  	p0 =	seq.s32 s10, $0x1;
	s10 =	sld [smem:$0x3FBA];
	_ =	sdelay $0x3  }
0x34: {  	[smem:$0x3FBA] =	sst s10  }
0x35: {  	s10 =	sld [smem:$0x3FB9];
	_ =	sdelay $0x3  }
0x36: {  	p1 =	seq.s32 s10, $0x1;
	s10 =	sld [smem:$0x3FBA];
	_ =	sdelay $0x3  }
0x37: {  	[smem:$0x3FBA] =	sst s10  }
0x38: {  	s10 =	sld [smem:$0x3FBB]  }
0x39: {  	_ = 	snop;
	(pc) =	sbr.ind lr, $3  }
0x3a: {  	_ = 	snop  }
0x3b: {  	_ = 	snop  }
0x3c: {  	p2 =	seq.s32 s10, $0x1;
	s10 =	sld [smem:$0x3FBA]  }
0x3d: {  	_ =	shalt  }
0x3e: {  	_ =	shalt  }
0x3f: {  	_ =	shalt  }
0x40: {  	_ =	shalt  }
0x41: {  	_ =	shalt  }
0x42: {  	_ =	shalt  }
0x43: {  	_ =	shalt  }
0x44: {  	_ =	shalt  }
0x45: {  	_ =	shalt  }
0x46: {  	_ =	shalt  }
0x47: {  	_ =	shalt  }
0x48: {  	_ =	shalt  }
0x49: {  	_ =	shalt  }
0x4a: {  	_ =	shalt  }
0x4b: {  	_ =	shalt  }
0x4c: {  	_ =	shalt  }
0x4d: {  	_ =	shalt  }
0x4e: {  	_ =	shalt  }
0x4f: {  	_ =	shalt  }
0x50: {  	_ =	shalt  }
0x51: {  	_ =	shalt  }
0x52: {  	_ =	shalt  }
0x53: {  	_ =	shalt  }
0x54: {  	_ =	shalt  }
0x55: {  	_ =	shalt  }
0x56: {  	_ =	shalt  }
0x57: {  	_ =	shalt  }
0x58: {  	_ =	shalt  }
0x59: {  	_ =	shalt  }
0x5a: {  	_ =	shalt  }
0x5b: {  	_ =	shalt  }
0x5c: {  	_ =	shalt  }
0x5d: {  	_ =	shalt  }
0x5e: {  	_ =	shalt  }
0x5f: {  	_ =	shalt  }
0x60: {  	_ =	shalt  }
0x61: {  	_ =	shalt  }
0x62: {  	_ =	shalt  }
0x63: {  	_ =	shalt  }
0x64: {  	_ =	shalt  }
0x65: {  	_ =	shalt  }
0x66: {  	_ =	shalt  }
0x67: {  	_ =	shalt  }
0x68: {  	_ =	shalt  }
0x69: {  	_ =	shalt  }
0x6a: {  	_ =	shalt  }
0x6b: {  	_ =	shalt  }
0x6c: {  	_ =	shalt  }
0x6d: {  	_ =	shalt  }
0x6e: {  	_ =	shalt  }
0x6f: {  	_ =	shalt  }
0x70: {  	_ =	shalt  }
0x71: {  	_ =	shalt  }
0x72: {  	_ =	shalt  }
0x73: {  	_ =	shalt  }
0x74: {  	_ =	shalt  }
0x75: {  	_ =	shalt  }
0x76: {  	_ =	shalt  }
0x77: {  	_ =	shalt  }
0x78: {  	_ =	shalt  }
0x79: {  	_ =	shalt  }
0x7a: {  	_ =	shalt  }
0x7b: {  	_ =	shalt  }
0x7c: {  	_ =	shalt  }
0x7d: {  	_ =	shalt  }
0x7e: {  	_ =	shalt  }
0x7f: {  	_ =	shalt  }
0x80: {  	_ =	shalt  }
0x81: {  	_ =	shalt  }
0x82: {  	_ =	shalt  }
0x83: {  	_ =	shalt  }
0x84: {  	_ =	shalt  }
0x85: {  	_ =	shalt  }
0x86: {  	_ =	shalt  }
0x87: {  	_ =	shalt  }
.Lfunc_end0:
.L_simem_size_0:
called_computation.2_lowered:
.L_overlay_start_0:
0x88: {  	s2 =	sld [smem:$0x3FD9]  }
0x89: {  	s3 =	sld [smem:$0x3FFE];
	_ =	sdelay $0x1  }
0x8a: {  	s1 =	srdreg.scid  }
0x8b: {  	s0 =	sand.u32 $0x1, s1  }
0x8c: {  	s17 =	sshll.u32 s0, $0xA;
	s2 =	sadd.s32 s3, s2  }
0x8d: {  	s2 =	sadd.s32 s2, s17  }
0x8e: {  	[smem:$0x3FC6] =	sst s2  }
0x8f: {  	_ = 	snop  }
0x90: {  	s2 =	sld [smem:$0x3FD0];
	(tm) =	ssettm $0x1  }
0x91: {  	s18 =	sld [smem:$0x3FFB];
	_ =	sdelay $0x3  }
0x92: {  	_ =	strace s18  }
0x93: {  	s3 =	sld [smem:$0x3FFC];
	_ =	sdelay $0x3  }
0x94: {  	_ =	strace s3  }
0x95: {  	s3 =	sld [smem:$0x3FFD];
	_ =	sdelay $0x3  }
0x96: {  	_ =	strace s3  }
0x97: {  	_ =	strace $0x8FFFFFFF  }
0x98: {  	s19 =	sld [smem:$0x3FDB];
	_ =	sdelay $0x1  }
0x99: {  	s4 =	simm.s32 $_scs_section_size  }
0x9a: {  	s5 =	simm.s32 $_size__tile_overlayer_lowered;
	s6 =	simm.s32 $_tile_overlayer_lowered  }
0x9b: {  	s22 =	simm.s32 $0x1BFF;
	s21 =	sshll.u32 s6, $0x1;
	s3 =	sadd.s32 s4, s19  }
0x9c: {  	s7 =	simm.s32 $0x0;
	s20 =	sshll.u32 s5, $0x1;
	s5 =	sadd.s32 s21, s3  }
0x9d: {  	[timem:s7], [sflag:s22] =	dma.local [hbm:s5], s20  }
0x9e: {  	_ =	swait.ge [sflag:s22], s20  }
0x9f: {  	s4 =	ssub.s32 $0x0, s20;
	[sflag:s22] =	ssyncset.done $0x0  }
0xa0: {  	[sflag:s22] =	ssyncadd.s32 s4;
	_ =	sdelay $0x1  }
0xa1: {  	s23 =	simm.s32 $0x1B8B  }
0xa2: {  	_ =	swait.ge [sflag:s23], $0x1  }
0xa3: {  	[sflag:s23] =	ssyncset.done $0x0  }
0xa4: {  	s25 =	simm.s32 $0x1B8E;
	s24 =	sld [smem:$0x3FFE];
	[sflag:s23] =	ssyncadd.s32 $0xFFFFFFFF  }
0xa5: {  	s26 =	simm.s32 $execute0_lowered;
	[smem:$0x3FD2] =	sst s25  }
0xa6: {  	s5 =	sshll.u32 s26, $0x1;
	_ =	strace $0x80000049;
	[dreg:$0x1] =	wrdreg $0xFFFFFFFF  }
0xa7: {  	s28 =	simm.s32 $_size_execute0_lowered;
	s3 =	sadd.s32 s3, s5;
	[dreg:$0x0] =	wrdreg $0x0  }
0xa8: {  	s5 =	sshll.u32 s28, $0x1;
	[dreg:$0x2] =	wrdreg s3  }
0xa9: {  	[dreg:$0x3] =	wrdreg s5  }
0xaa: {  	[dreg:$0x4] =	wrdreg $0xC0  }
0xab: {  	_ =	task [dreg:s7], $0x5FFFF  }
0xac: {  	[dreg:$0x1] =	wrdreg $0xFFFFFFFF  }
0xad: {  	[dreg:$0x0] =	wrdreg $0x60  }
0xae: {  	[dreg:$0x2] =	wrdreg s24  }
0xaf: {  	[dreg:$0x3] =	wrdreg s2  }
0xb0: {  	[dreg:$0x4] =	wrdreg $0x9  }
0xb1: {  	_ =	task.clear_ibuf [dreg:s7], $0x5FFFF;
	_ =	strace $0x90000049  }
0xb2: {  	s29 =	simm.s32 $0x9;
	_ =	strace $0x8000004B  }
0xb3: {  	_ =	swait.ge [sflag:s29], $0x1  }
0xb4: {  	[sflag:s29] =	ssyncadd.s32 $0xFFFFFFFF  }
0xb5: {  	_ =	strace $0x9000004B  }
0xb6: {  	_ =	sfence  }
0xb7: {  	s30 =	sld [smem:$0x0];
	_ =	sdelay $0x2  }
0xb8: {  	s31 =	sshll.u32 s1, $0xD;
	s1 =	sshrl.u32 s1, $0x2  }
0xb9: {  	s3 =	sand.u32 $0x4000, s31;
	s1 =	sadd.s32 s1, s30  }
0xba: {  	s0 =	sor.u32 s3, s0;
	s1 =	sshll.u32 s1, $0x11  }
0xbb: {  	s0 =	sor.u32 s1, s0  }
0xbc: {  	s0 =	sadd.s32 $0x8F2B, s0  }
0xbd: {  	[sflag:s0] =	ssyncadd.remote.s32 $0x1  }
0xbe: {  	_ =	sfence.sel $0xFFFF  }
0xbf: {  	[dreg:$0x0] =	wrdreg $0xFFFFFFFF;
	(pc) =	sbr.abs _section_cstart, $3  }
0xc0: {  	[dreg:$0x1] =	wrdreg $0xFFFFFFFF  }
0xc1: {  	_ =	task.clear_ibuf [dreg:s7], $0x2FFFF;
	_ =	strace $0x9FFFFFFF  }
0xc2: {  	(tm) =	ssettm $0x7FFFFFFF  }
0xc3: {  	_ =	shalt  }
tec
execute0_lowered:
.L_overlay_start_1:
0x0: {  	(tag) =	ssettag $0x1  }
0x1: {  	s0 =	srdreg.scid;
	s1 =	rddreg [dreg:$0x0]  }
0x2: {  	s10 =	stileid.u32;
	s2 =	rddreg [dreg:$0x1];
	s3 =	simm.s32 $0x0  }
0x3: {  	s12 =	simm.s32 $0xE400;
	s13 =	simm.s32 $0x10400;
	s14 =	simm.s32 $0x12400  }
0x4: {  	s15 =	simm.s32 $0x14400;
	s16 =	simm.s32 $0x8;
	s28 =	simm.s32 $0xD  }
0x5: {  	s31 =	simm.s32 $0xE;
	s0 =	sand.u32 $0x1, s0;
	s4 =	sshll.u32 s10, $0xA  }
0x6: {  	[smem:$0x7FF] =	sst s3;
	s24 =	sshll.u32 s10, $0x10;
	s26 =	sshll.u32 s10, $0xD  }
0x7: {  	s10 =	simm.s32 $0xC400;
	s5 =	sshll.u32 s0, $0x9;
	_ =	strace $0x8000004A  }
0x8: {  	s17 =	ssub.s32 $0x2, s0;
	s25 =	sshll.u32 s0, $0xF;
	s29 =	sadd.s32 s26, s2  }
0x9: {  	s0 =	sshll.u32 s0, $0xC;
	s5 =	sor.u32 s5, s4;
	s18 =	sshrl.u32 s17, $0x1  }
0xa: {  	s0 =	sadd.s32 s0, s29;
	s4 =	sshrl.u32 s5, $0x3;
	s7 =	sshll.u32 s5, $0x3  }
0xb: {  	s5 =	sshll.u32 s5, $0x6;
	[dreg:$0xd] =	wrdreg s0;
	s6 =	sadd.s32 s4, s1  }
0xc: {  	s0 =	simm.s32 $0xF;
	s8 =	sadd.s32 s7, s2;
	s6 =	sadd.s32 $0xF43200, s6  }
0xd: {  	s4 =	sadd.s32 $0xF5C200, s1;
	s9 =	sadd.s32 $0x600400, s8;
	[dreg:$0x3] =	wrdreg s6  }
0xe: {  	s7 =	sor.u32 $0x4000, s5;
	s11 =	sadd.s32 $0x600800, s8;
	[dreg:$0x4] =	wrdreg s9  }
0xf: {  	s1 =	ssub.s32 s17, s18;
	s19 =	sadd.s32 $0x600C00, s8;
	[dreg:$0x5] =	wrdreg s11  }
0x10: {  	s17 =	simm.s32 $0x9;
	s20 =	sadd.s32 $0x620000, s8;
	[dreg:$0x6] =	wrdreg s19  }
0x11: {  	s18 =	simm.s32 $0xA;
	s21 =	sadd.s32 $0x620400, s8;
	[dreg:$0x7] =	wrdreg s20  }
0x12: {  	s22 =	sadd.s32 $0x620800, s8;
	s23 =	sadd.s32 $0x620C00, s8;
	[dreg:$0x8] =	wrdreg s21  }
0x13: {  	s1 =	smax.u32 s1, $0x1;
	s8 =	simm.s32 $0x1;
	[dreg:$0x9] =	wrdreg s22  }
.Ltmp0:
0x14: {  	s6 =	sor.u32 $0x2000, s5;
	[dreg:$0xa] =	wrdreg s23;
	(pc) =	sbr.rel .LBB2_1-.Ltmp0, $4  }
0x15: {  	s11 =	sor.u32 $0x6000, s5;
	s5 =	sor.u32 s25, s24;
	[dreg:$0xb] =	wrdreg s1  }
0x16: {  	s22 =	simm.s32 $0x80;
	s23 =	simm.s32 $0x8400;
	s9 =	simm.s32 $0xA400  }
0x17: {  	s21 =	simm.s32 $0xB;
	s25 =	simm.s32 $0xC;
	s30 =	sor.u32 $0xFFF00000, s5  }
0x18: {  	s19 =	simm.s32 $0x10;
	s5 =	simm.s32 $0x0;
	[dreg:$0xc] =	wrdreg s30  }
.LBB2_6:
0x19: {  	s1 =	simm.s32 $0x2  }
0x1a: {  	_ =	swait.ge [sflag:s1], $0x2000  }
0x1b: {  	[sflag:s1] =	ssyncset.done $0x0  }
0x1c: {  	s5 =	simm.s32 $0x3;
	s30 =	rddreg [dreg:$0x4];
	[sflag:s1] =	ssyncadd.s32 $0xFFFFE000  }
0x1d: {  	[hbm4b:s30+s3] =	stream.linear.scatter [tilespmem:s23], [sflag:$0xA], $0x2000, $0x38;
	[tilespmem:$0x16400] =	vst v63  }
0x1e: {  	_ =	swait.ge [sflag:s5], $0x2000  }
0x1f: {  	[sflag:s5] =	ssyncset.done $0x0  }
0x20: {  	s24 =	simm.s32 $0x4;
	s20 =	rddreg [dreg:$0x5];
	[sflag:s5] =	ssyncadd.s32 $0xFFFFE000  }
0x21: {  	[hbm4b:s20+s3] =	stream.linear.scatter [tilespmem:s9], [sflag:$0xB], $0x2000, $0x38;
	[tilespmem:$0x16400] =	vst v63  }
0x22: {  	_ =	swait.ge [sflag:s24], $0x2000  }
0x23: {  	[sflag:s24] =	ssyncset.done $0x0  }
0x24: {  	s29 =	simm.s32 $0x5;
	s26 =	rddreg [dreg:$0x6];
	[sflag:s24] =	ssyncadd.s32 $0xFFFFE000  }
0x25: {  	[hbm4b:s26+s3] =	stream.linear.scatter [tilespmem:s10], [sflag:$0xC], $0x2000, $0x38;
	[tilespmem:$0x16400] =	vst v63  }
0x26: {  	_ =	swait.ge [sflag:s29], $0x2000  }
0x27: {  	[sflag:s29] =	ssyncset.done $0x0  }
0x28: {  	s5 =	simm.s32 $0x6;
	s30 =	rddreg [dreg:$0x7];
	[sflag:s29] =	ssyncadd.s32 $0xFFFFE000  }
0x29: {  	[hbm4b:s30+s3] =	stream.linear.scatter [tilespmem:s12], [sflag:$0xD], $0x2000, $0x38;
	[tilespmem:$0x16400] =	vst v63  }
0x2a: {  	_ =	swait.ge [sflag:s5], $0x2000  }
0x2b: {  	[sflag:s5] =	ssyncset.done $0x0  }
0x2c: {  	s24 =	simm.s32 $0x7;
	s20 =	rddreg [dreg:$0x8];
	[sflag:s5] =	ssyncadd.s32 $0xFFFFE000  }
0x2d: {  	[hbm4b:s20+s3] =	stream.linear.scatter [tilespmem:s13], [sflag:$0xE], $0x2000, $0x38;
	[tilespmem:$0x16400] =	vst v63  }
0x2e: {  	_ =	swait.ge [sflag:s24], $0x2000  }
0x2f: {  	[sflag:s24] =	ssyncset.done $0x0  }
0x30: {  	s26 =	rddreg [dreg:$0x9];
	[sflag:s24] =	ssyncadd.s32 $0xFFFFE000  }
0x31: {  	[hbm4b:s26+s3] =	stream.linear.scatter [tilespmem:s14], [sflag:$0xF], $0x2000, $0x38;
	[tilespmem:$0x16400] =	vst v63  }
0x32: {  	_ =	swait.ge [sflag:s16], $0x2000  }
0x33: {  	[sflag:s16] =	ssyncset.done $0x0  }
0x34: {  	s29 =	rddreg [dreg:$0xa];
	[sflag:s16] =	ssyncadd.s32 $0xFFFFE000  }
0x35: {  	[hbm4b:s29+s3] =	stream.linear.scatter [tilespmem:s15], [sflag:$0x10], $0x2000, $0x38;
	[tilespmem:$0x16400] =	vst v63  }
0x36: {  	_ =	swait.ge [sflag:s17], $0x2000  }
0x37: {  	[sflag:s17] =	ssyncset.done $0x0  }
0x38: {  	[sflag:s17] =	ssyncadd.s32 $0xFFFFE000  }
0x39: {  	_ =	swait.ge [sflag:s18], $0x2000  }
0x3a: {  	[sflag:s18] =	ssyncset.done $0x0  }
0x3b: {  	[sflag:s18] =	ssyncadd.s32 $0xFFFFE000  }
0x3c: {  	_ =	swait.ge [sflag:s21], $0x2000  }
0x3d: {  	[sflag:s21] =	ssyncset.done $0x0  }
0x3e: {  	[sflag:s21] =	ssyncadd.s32 $0xFFFFE000  }
0x3f: {  	_ =	swait.ge [sflag:s25], $0x2000  }
0x40: {  	[sflag:s25] =	ssyncset.done $0x0  }
0x41: {  	[sflag:s25] =	ssyncadd.s32 $0xFFFFE000  }
0x42: {  	_ =	swait.ge [sflag:s28], $0x2000  }
0x43: {  	[sflag:s28] =	ssyncset.done $0x0  }
0x44: {  	[sflag:s28] =	ssyncadd.s32 $0xFFFFE000  }
0x45: {  	_ =	swait.ge [sflag:s31], $0x2000  }
0x46: {  	[sflag:s31] =	ssyncset.done $0x0  }
0x47: {  	[sflag:s31] =	ssyncadd.s32 $0xFFFFE000  }
0x48: {  	_ =	swait.ge [sflag:s0], $0x2000  }
0x49: {  	[sflag:s0] =	ssyncset.done $0x0  }
0x4a: {  	[sflag:s0] =	ssyncadd.s32 $0xFFFFE000  }
0x4b: {  	_ =	swait.ge [sflag:s19], $0x2000  }
0x4c: {  	s5 =	rddreg [dreg:$0xe]  }
0x4d: {  	s30 =	rddreg [dreg:$0xb];
	s5 =	sadd.s32 $0x1, s5  }
0x4e: {  	p0 =	sne.s32 s5, s30  }
.Ltmp1:
0x4f: {  	_ = 	snop;
	(pc) =	sbr.rel @!p0 .LBB2_7-.Ltmp1, $3  }
0x50: {  	_ =	sdelay $0x1  }
0x51: {  	[sflag:s19] =	ssyncset.done $0x0  }
0x52: {  	[sflag:s19] =	ssyncadd.s32 $0xFFFFE000  }
.LBB2_1:
0x53: {  	[dreg:$0xe] =	wrdreg s5  }
0x54: {  	s1 =	rddreg [dreg:$0x3];
	s24 =	simm.s32 $0x200  }
.Ltmp2:
0x55: {  	s20 =	simm.s32 $0x4000;
	s26 =	simm.s32 $0x11;
	(pc) =	sbr.rel .LBB2_2-.Ltmp2, $4  }
0x56: {  	[tilespmem:s3], [sflag:$0x11] =	stream.strided.gather [hbm4b:s1+s24], $0x6400, s20, s24, $0x38;
	[tilespmem:$0x16400] =	vst v63  }
0x57: {  	s30 =	simm.s32 $0x0;
	_ =	swait.ge [sflag:s26], $0x6400  }
0x58: {  	s20 =	simm.s32 $0x6400;
	[sflag:s26] =	ssyncset.done $0x0;
	s29 =	rddreg [dreg:$0xc]  }
0x59: {  	s24 =	simm.s32 $0xFFFFFFF9;
	[sflag:s26] =	ssyncadd.s32 $0xFFFF9C00;
	s26 =	rddreg [dreg:$0xd]  }
.LBB2_4:
0x5a: {  	_ =	swait.ge [sflag:s17], $0x2000  }
0x5b: {  	[sflag:s17] =	ssyncset.done $0x0  }
0x5c: {  	s1 =	sshra.s32 s30, $0x2;
	s5 =	sshll.u32 s24, $0x10;
	[sflag:s17] =	ssyncadd.s32 $0xFFFFE000  }
0x5d: {  	[tilespmem:s20], [sflag:$0x1] =	stream.indirect.gather [hbm4b:s4+s22], $0x40, s1, s22, $0xb8;
	[tilespmem:$0x16400] =	vst v63  }
0x5e: {  	s20 =	sshra.s32 s5, $0x1F  }
0x5f: {  	s20 =	sand.u32 $0x3, s20  }
0x60: {  	s9 =	simm.s32 $0x2;
	s20 =	sadd.s32 s20, s24  }
0x61: {  	s12 =	sadd.s32 $0x1, s24;
	s5 =	sshra.s32 s24, $0x1F;
	s20 =	sshrl.u32 s20, $0x2  }
0x62: {  	s14 =	simm.s32 $0x3;
	s15 =	simm.s32 $0xA400;
	s5 =	sadd.s32 s20, s5  }
0x63: {  	s13 =	sshll.u32 s12, $0x10;
	_ =	swait.ge [sflag:s9], $0x2000;
	s5 =	sshll.u32 s5, $0x14  }
0x64: {  	[sflag:s9] =	ssyncset.done $0x0;
	s20 =	sshra.s32 s13, $0x1F;
	s5 =	sor.u32 s6, s5  }
0x65: {  	[sflag:s9] =	ssyncadd.s32 $0xFFFFE000;
	s20 =	sand.u32 $0x3, s20;
	s5 =	sshrl.u32 s5, $0x3  }
0x66: {  	s9 =	simm.s32 $0x8400;
	s20 =	sadd.s32 s20, s12;
	s5 =	sadd.s32 s2, s5  }
0x67: {  	[hbm4b:s5+s3] =	stream.linear.scatter [tilespmem:s9], [sflag:$0xA], $0x2000, $0x38;
	[tilespmem:$0x16400] =	vst v63  }
0x68: {  	s20 =	sshrl.u32 s20, $0x2;
	s5 =	sshra.s32 s12, $0x1F;
	_ =	swait.ge [sflag:s18], $0x2000  }
0x69: {  	s10 =	sadd.s32 $0x80, s1;
	s5 =	sadd.s32 s20, s5;
	[sflag:s18] =	ssyncset.done $0x0  }
0x6a: {  	s12 =	sadd.s32 $0x2, s24;
	s5 =	sshll.u32 s5, $0x14;
	[sflag:s18] =	ssyncadd.s32 $0xFFFFE000  }
0x6b: {  	[tilespmem:s9], [sflag:$0x2] =	stream.indirect.gather [hbm4b:s4+s22], $0x40, s10, s22, $0xb8;
	[tilespmem:$0x16400] =	vst v63  }
0x6c: {  	s13 =	sshll.u32 s12, $0x10;
	s5 =	sor.u32 s7, s5;
	_ =	swait.ge [sflag:s14], $0x2000  }
0x6d: {  	s20 =	sshra.s32 s13, $0x1F;
	s5 =	sshrl.u32 s5, $0x3;
	[sflag:s14] =	ssyncset.done $0x0  }
0x6e: {  	s20 =	sand.u32 $0x3, s20;
	s5 =	sadd.s32 s2, s5;
	[sflag:s14] =	ssyncadd.s32 $0xFFFFE000  }
0x6f: {  	[hbm4b:s5+s3] =	stream.linear.scatter [tilespmem:s15], [sflag:$0xB], $0x2000, $0x38;
	[tilespmem:$0x16400] =	vst v63  }
0x70: {  	s20 =	sadd.s32 s20, s12;
	_ =	swait.ge [sflag:s21], $0x2000  }
0x71: {  	s20 =	sshrl.u32 s20, $0x2;
	s5 =	sshra.s32 s12, $0x1F;
	[sflag:s21] =	ssyncset.done $0x0  }
0x72: {  	s10 =	sadd.s32 $0x100, s1;
	s5 =	sadd.s32 s20, s5;
	[sflag:s21] =	ssyncadd.s32 $0xFFFFE000  }
0x73: {  	[tilespmem:s15], [sflag:$0x3] =	stream.indirect.gather [hbm4b:s4+s22], $0x40, s10, s22, $0xb8;
	[tilespmem:$0x16400] =	vst v63  }
0x74: {  	s5 =	sshll.u32 s5, $0x14;
	s10 =	simm.s32 $0x4  }
0x75: {  	s5 =	sor.u32 s11, s5;
	_ =	swait.ge [sflag:s10], $0x2000  }
0x76: {  	s5 =	sshrl.u32 s5, $0x3;
	[sflag:s10] =	ssyncset.done $0x0  }
0x77: {  	s14 =	simm.s32 $0xC400;
	s5 =	sadd.s32 s2, s5;
	[sflag:s10] =	ssyncadd.s32 $0xFFFFE000  }
0x78: {  	[hbm4b:s5+s3] =	stream.linear.scatter [tilespmem:s14], [sflag:$0xC], $0x2000, $0x38;
	[tilespmem:$0x16400] =	vst v63  }
0x79: {  	_ =	swait.ge [sflag:s25], $0x2000  }
0x7a: {  	[sflag:s25] =	ssyncset.done $0x0  }
0x7b: {  	s12 =	simm.s32 $0x5;
	s15 =	sadd.s32 $0x180, s1;
	[sflag:s25] =	ssyncadd.s32 $0xFFFFE000  }
0x7c: {  	[tilespmem:s14], [sflag:$0x4] =	stream.indirect.gather [hbm4b:s4+s22], $0x40, s15, s22, $0xb8;
	[tilespmem:$0x16400] =	vst v63  }
0x7d: {  	_ =	swait.ge [sflag:s12], $0x2000  }
0x7e: {  	s20 =	sshrl.u32 s29, $0x3;
	[sflag:s12] =	ssyncset.done $0x0  }
0x7f: {  	s13 =	simm.s32 $0xE400;
	s5 =	sadd.s32 s2, s20;
	[sflag:s12] =	ssyncadd.s32 $0xFFFFE000  }
0x80: {  	[hbm4b:s5+s3] =	stream.linear.scatter [tilespmem:s13], [sflag:$0xD], $0x2000, $0x38;
	[tilespmem:$0x16400] =	vst v63  }
0x81: {  	_ =	swait.ge [sflag:s28], $0x2000  }
0x82: {  	[sflag:s28] =	ssyncset.done $0x0  }
0x83: {  	s14 =	sadd.s32 $0x200, s1;
	s15 =	sadd.s32 $0x4, s24;
	[sflag:s28] =	ssyncadd.s32 $0xFFFFE000  }
0x84: {  	[tilespmem:s13], [sflag:$0x5] =	stream.indirect.gather [hbm4b:s4+s22], $0x40, s14, s22, $0xb8;
	[tilespmem:$0x16400] =	vst v63  }
0x85: {  	s13 =	sshll.u32 s15, $0x10  }
0x86: {  	s20 =	sshra.s32 s13, $0x1F  }
0x87: {  	s20 =	sand.u32 $0x3, s20  }
0x88: {  	s20 =	sadd.s32 s20, s15  }
0x89: {  	s5 =	sshra.s32 s15, $0x1F;
	s20 =	sshrl.u32 s20, $0x2  }
0x8a: {  	s5 =	sadd.s32 s20, s5  }
0x8b: {  	s13 =	simm.s32 $0x6;
	s5 =	sshll.u32 s5, $0x14  }
0x8c: {  	_ =	swait.ge [sflag:s13], $0x2000;
	s5 =	sor.u32 s6, s5  }
0x8d: {  	[sflag:s13] =	ssyncset.done $0x0;
	s5 =	sshrl.u32 s5, $0x3  }
0x8e: {  	s14 =	simm.s32 $0x10400;
	[sflag:s13] =	ssyncadd.s32 $0xFFFFE000;
	s5 =	sadd.s32 s2, s5  }
0x8f: {  	[hbm4b:s5+s3] =	stream.linear.scatter [tilespmem:s14], [sflag:$0xE], $0x2000, $0x38;
	[tilespmem:$0x16400] =	vst v63  }
0x90: {  	_ =	swait.ge [sflag:s31], $0x2000  }
0x91: {  	[sflag:s31] =	ssyncset.done $0x0  }
0x92: {  	s15 =	sadd.s32 $0x280, s1;
	[sflag:s31] =	ssyncadd.s32 $0xFFFFE000  }
0x93: {  	[tilespmem:s14], [sflag:$0x6] =	stream.indirect.gather [hbm4b:s4+s22], $0x40, s15, s22, $0xb8;
	[tilespmem:$0x16400] =	vst v63  }
0x94: {  	s14 =	sadd.s32 $0x5, s24  }
0x95: {  	s15 =	sshll.u32 s14, $0x10  }
0x96: {  	s20 =	sshra.s32 s15, $0x1F  }
0x97: {  	s20 =	sand.u32 $0x3, s20  }
0x98: {  	s20 =	sadd.s32 s20, s14  }
0x99: {  	s5 =	sshra.s32 s14, $0x1F;
	s20 =	sshrl.u32 s20, $0x2  }
0x9a: {  	s5 =	sadd.s32 s20, s5  }
0x9b: {  	s14 =	simm.s32 $0x7;
	s5 =	sshll.u32 s5, $0x14  }
0x9c: {  	_ =	swait.ge [sflag:s14], $0x2000;
	s5 =	sor.u32 s7, s5  }
0x9d: {  	[sflag:s14] =	ssyncset.done $0x0;
	s5 =	sshrl.u32 s5, $0x3  }
0x9e: {  	s15 =	simm.s32 $0x12400;
	[sflag:s14] =	ssyncadd.s32 $0xFFFFE000;
	s5 =	sadd.s32 s2, s5  }
0x9f: {  	[hbm4b:s5+s3] =	stream.linear.scatter [tilespmem:s15], [sflag:$0xF], $0x2000, $0x38;
	[tilespmem:$0x16400] =	vst v63  }
0xa0: {  	_ =	swait.ge [sflag:s0], $0x2000  }
0xa1: {  	[sflag:s0] =	ssyncset.done $0x0  }
0xa2: {  	s1 =	sadd.s32 $0x300, s1;
	[sflag:s0] =	ssyncadd.s32 $0xFFFFE000  }
0xa3: {  	[tilespmem:s15], [sflag:$0x7] =	stream.indirect.gather [hbm4b:s4+s22], $0x40, s1, s22, $0xb8;
	[tilespmem:$0x16400] =	vst v63  }
0xa4: {  	s1 =	sadd.s32 $0x6, s24  }
0xa5: {  	s5 =	sshll.u32 s1, $0x10  }
0xa6: {  	s5 =	sshra.s32 s5, $0x1F  }
0xa7: {  	s5 =	sand.u32 $0x3, s5  }
0xa8: {  	s5 =	sadd.s32 s5, s1  }
0xa9: {  	s1 =	sshra.s32 s1, $0x1F;
	s5 =	sshrl.u32 s5, $0x2  }
0xaa: {  	s1 =	sadd.s32 s5, s1  }
0xab: {  	s1 =	sshll.u32 s1, $0x14  }
0xac: {  	s23 =	simm.s32 $0x8400;
	_ =	swait.ge [sflag:s16], $0x2000;
	s1 =	sor.u32 s11, s1  }
0xad: {  	s9 =	simm.s32 $0xA400;
	[sflag:s16] =	ssyncset.done $0x0;
	s1 =	sshrl.u32 s1, $0x3  }
0xae: {  	s15 =	simm.s32 $0x14400;
	[sflag:s16] =	ssyncadd.s32 $0xFFFFE000;
	s1 =	sadd.s32 s2, s1  }
0xaf: {  	[hbm4b:s1+s3] =	stream.linear.scatter [tilespmem:s15], [sflag:$0x10], $0x2000, $0x38;
	[tilespmem:$0x16400] =	vst v63  }
0xb0: {  	s10 =	simm.s32 $0xC400;
	s12 =	simm.s32 $0xE400;
	_ =	swait.ge [sflag:s19], $0x2000  }
0xb1: {  	s13 =	simm.s32 $0x10400;
	s20 =	simm.s32 $0x6400;
	[sflag:s19] =	ssyncset.done $0x0  }
0xb2: {  	s14 =	simm.s32 $0x12400;
	s1 =	smov.u32 s30;
	[sflag:s19] =	ssyncadd.s32 $0xFFFFE000  }
.LBB2_5:
0xb3: {  	s1 =	sshra.s32 s1, $0x2;
	s30 =	sadd.s32 $0x1000, s30  }
0xb4: {  	s1 =	sadd.s32 $0x380, s1;
	p0 =	sne.s32 s30, $0x19000  }
0xb5: {  	[tilespmem:s15], [sflag:$0x8] =	stream.indirect.gather [hbm4b:s4+s22], $0x40, s1, s22, $0xb8;
	[tilespmem:$0x16400] =	vst v63  }
.Ltmp3:
0xb6: {  	_ =	swait.ge [sflag:s8], $0x2000;
	(pc) =	sbr.rel @!p0 .LBB2_6-.Ltmp3, $4  }
0xb7: {  	[sflag:s8] =	ssyncset.done $0x0  }
0xb8: {  	[sflag:s8] =	ssyncadd.s32 $0xFFFFE000  }
0xb9: {  	[hbm4b:s26+s3] =	stream.linear.scatter [tilespmem:s20], [sflag:$0x9], $0x2000, $0x38;
	[tilespmem:$0x16400] =	vst v63  }
0xba: {  	s24 =	sadd.s32 $0x8, s24;
	s29 =	sadd.s32 $0x200000, s29;
	s26 =	sadd.s32 $0x40000, s26  }
.LBB2_2:
0xbb: {  	p0 =	sne.s32 s30, $0x0  }
.Ltmp4:
0xbc: {  	_ = 	snop;
	(pc) =	sbr.rel @p0 .LBB2_4-.Ltmp4, $1  }
0xbd: {  	_ =	sdelay $0x3  }
0xbe: {  	s1 =	simm.s32 $0x0  }
0xbf: {  	[tilespmem:s20], [sflag:$0x1] =	stream.indirect.gather [hbm4b:s4+s22], $0x40, s1, s22, $0xb8;
	[tilespmem:$0x16400] =	vst v63  }
0xc0: {  	_ = 	snop  }
0xc1: {  	[tilespmem:s23], [sflag:$0x2] =	stream.indirect.gather [hbm4b:s4+s22], $0x40, s22, s22, $0xb8;
	[tilespmem:$0x16400] =	vst v63  }
0xc2: {  	s5 =	simm.s32 $0x100  }
0xc3: {  	[tilespmem:s9], [sflag:$0x3] =	stream.indirect.gather [hbm4b:s4+s22], $0x40, s5, s22, $0xb8;
	[tilespmem:$0x16400] =	vst v63  }
0xc4: {  	s5 =	simm.s32 $0x180  }
0xc5: {  	[tilespmem:s10], [sflag:$0x4] =	stream.indirect.gather [hbm4b:s4+s22], $0x40, s5, s22, $0xb8;
	[tilespmem:$0x16400] =	vst v63  }
0xc6: {  	s5 =	simm.s32 $0x200  }
0xc7: {  	[tilespmem:s12], [sflag:$0x5] =	stream.indirect.gather [hbm4b:s4+s22], $0x40, s5, s22, $0xb8;
	[tilespmem:$0x16400] =	vst v63  }
.Ltmp5:
0xc8: {  	_ = 	snop;
	(pc) =	sbr.rel .LBB2_5-.Ltmp5, $4  }
0xc9: {  	s5 =	simm.s32 $0x280  }
0xca: {  	[tilespmem:s13], [sflag:$0x6] =	stream.indirect.gather [hbm4b:s4+s22], $0x40, s5, s22, $0xb8;
	[tilespmem:$0x16400] =	vst v63  }
0xcb: {  	s5 =	simm.s32 $0x300  }
0xcc: {  	[tilespmem:s14], [sflag:$0x7] =	stream.indirect.gather [hbm4b:s4+s22], $0x40, s5, s22, $0xb8;
	[tilespmem:$0x16400] =	vst v63  }
.LBB2_7:
0xcd: {  	_ =	sfence.sel $0x180000  }
0xce: {  	[bflag:$0x0] =	sbarrier.arrive $0xFFFF  }
0xcf: {  	_ =	strace $0x9000004A  }
0xd0: {  	s0 =	stileid.u32;
	[bflag:$0x2] =	sbarrier.arrive $0xFFFF  }
0xd1: {  	p0 =	sne.s32 s0, $0x0;
	s0 =	rddreg [dreg:$0x2]  }
0xd2: {  	s0 =	sadd.s32 @!p0 $0x100000, s0  }
0xd3: {  	[sflag:s0] =	ssyncadd.tile.s32 @!p0 $0x1;
	_ =	shalt  }
.Lfunc_end2:
_tile_overlayer_lowered:
.L_overlay_start_2:
0xd4: {  	(tag) =	ssettag $0x2  }
0xd5: {  	s0 =	rddreg [dreg:$0x0];
	s2 =	stileid.u32  }
0xd6: {  	s1 =	rddreg [dreg:$0x1];
	p0 =	sne.s32 s2, $0x0  }
0xd7: {  	s3 =	rddreg [dreg:$0x2];
	[bflag:$0x3] =	sbarrier.arrive $0xFFFF;
	s2 =	simm.s32 @!p0 $0x1C11  }
0xd8: {  	[timem:s3], [sflag:s2] =	dma.local @!p0 [hbm:s0], s1  }
0xd9: {  	s0 =	simm.s32 @!p0 $0x11  }
0xda: {  	_ =	swait.ge @!p0 [sflag:s0], s1  }
0xdb: {  	s1 =	ssub.s32 @!p0 $0x0, s1;
	[sflag:s0] =	ssyncset.done @!p0 $0x0  }
0xdc: {  	[sflag:s0] =	ssyncadd.s32 @!p0 s1  }
0xdd: {  	[bflag:$0x3] =	sbarrier.arrive $0xFFFF  }
0xde: {  	_ =	shalt  }

// kernel: sparse-core-data-format-call.1.cloned.1.call-start
scs
called_computation.1_lowered:
.L_overlay_start_0:
0x0: {  	s2 =	sld [smem:$0x3FD9]  }
0x1: {  	s3 =	sld [smem:$0x3FFE];
	_ =	sdelay $0x1  }
0x2: {  	s1 =	srdreg.scid  }
0x3: {  	s0 =	sand.u32 $0x1, s1  }
0x4: {  	s18 =	sshll.u32 s0, $0xA;
	s2 =	sadd.s32 s3, s2  }
0x5: {  	s2 =	sadd.s32 s2, s18  }
0x6: {  	[smem:$0x3FC6] =	sst s2  }
0x7: {  	_ = 	snop  }
0x8: {  	s2 =	sld [smem:$0x3FC8];
	(tm) =	ssettm $0x1  }
0x9: {  	s19 =	sld [smem:$0x3FFB];
	_ =	sdelay $0x3  }
0xa: {  	_ =	strace s19  }
0xb: {  	s3 =	sld [smem:$0x3FFC];
	_ =	sdelay $0x3  }
0xc: {  	_ =	strace s3  }
0xd: {  	s3 =	sld [smem:$0x3FFD];
	_ =	sdelay $0x3  }
0xe: {  	_ =	strace s3  }
0xf: {  	_ =	strace $0x8FFFFFFF  }
0x10: {  	s20 =	sld [smem:$0x3FDB];
	_ =	sdelay $0x1  }
0x11: {  	s4 =	simm.s32 $_scs_section_size  }
0x12: {  	s5 =	simm.s32 $_size__tile_overlayer_lowered;
	s6 =	simm.s32 $_tile_overlayer_lowered  }
0x13: {  	s23 =	simm.s32 $0x1BFF;
	s22 =	sshll.u32 s6, $0x1;
	s3 =	sadd.s32 s4, s20  }
0x14: {  	s7 =	simm.s32 $0x0;
	s21 =	sshll.u32 s5, $0x1;
	s5 =	sadd.s32 s22, s3  }
0x15: {  	[timem:s7], [sflag:s23] =	dma.local [hbm:s5], s21  }
0x16: {  	_ =	swait.ge [sflag:s23], s21  }
0x17: {  	s4 =	ssub.s32 $0x0, s21;
	[sflag:s23] =	ssyncset.done $0x0  }
0x18: {  	[sflag:s23] =	ssyncadd.s32 s4;
	_ =	sdelay $0x1  }
0x19: {  	s24 =	simm.s32 $0x1B8B  }
0x1a: {  	_ =	swait.ge [sflag:s24], $0x1  }
0x1b: {  	[sflag:s24] =	ssyncset.done $0x0  }
0x1c: {  	s26 =	simm.s32 $0x1B8E;
	s25 =	sld [smem:$0x3FFE];
	[sflag:s24] =	ssyncadd.s32 $0xFFFFFFFF  }
0x1d: {  	s27 =	simm.s32 $execute0_lowered;
	[smem:$0x3FD2] =	sst s26  }
0x1e: {  	s5 =	sshll.u32 s27, $0x1;
	_ =	strace $0x80000046;
	[dreg:$0x1] =	wrdreg $0xFFFFFFFF  }
0x1f: {  	s28 =	simm.s32 $_size_execute0_lowered;
	s3 =	sadd.s32 s3, s5;
	[dreg:$0x0] =	wrdreg $0x0  }
0x20: {  	s5 =	sshll.u32 s28, $0x1;
	[dreg:$0x2] =	wrdreg s3  }
0x21: {  	[dreg:$0x3] =	wrdreg s5  }
0x22: {  	[dreg:$0x4] =	wrdreg $0xC0  }
0x23: {  	_ =	task [dreg:s7], $0x5FFFF  }
0x24: {  	[dreg:$0x1] =	wrdreg $0xFFFFFFFF  }
0x25: {  	[dreg:$0x0] =	wrdreg $0x60  }
0x26: {  	[dreg:$0x2] =	wrdreg s2  }
0x27: {  	[dreg:$0x3] =	wrdreg s25  }
0x28: {  	[dreg:$0x4] =	wrdreg $0x9  }
0x29: {  	_ =	task.clear_ibuf [dreg:s7], $0x5FFFF;
	_ =	strace $0x90000046  }
0x2a: {  	s29 =	simm.s32 $0x9;
	_ =	strace $0x80000048  }
0x2b: {  	_ =	swait.ge [sflag:s29], $0x1  }
0x2c: {  	[sflag:s29] =	ssyncadd.s32 $0xFFFFFFFF  }
0x2d: {  	_ =	strace $0x90000048  }
0x2e: {  	_ =	sfence  }
0x2f: {  	s30 =	sld [smem:$0x0];
	_ =	sdelay $0x2  }
0x30: {  	s31 =	sshll.u32 s1, $0xD;
	s1 =	sshrl.u32 s1, $0x2  }
0x31: {  	s3 =	sand.u32 $0x4000, s31;
	s1 =	sadd.s32 s1, s30  }
0x32: {  	s0 =	sor.u32 s3, s0;
	s1 =	sshll.u32 s1, $0x11  }
0x33: {  	s0 =	sor.u32 s1, s0  }
0x34: {  	s0 =	sadd.s32 $0x8F2B, s0  }
0x35: {  	[sflag:s0] =	ssyncadd.remote.s32 $0x1  }
0x36: {  	_ =	sfence.sel $0xFFFF  }
0x37: {  	[dreg:$0x0] =	wrdreg $0xFFFFFFFF;
	(pc) =	sbr.abs _section_cstart, $3  }
0x38: {  	[dreg:$0x1] =	wrdreg $0xFFFFFFFF  }
0x39: {  	_ =	task.clear_ibuf [dreg:s7], $0x2FFFF;
	_ =	strace $0x9FFFFFFF  }
0x3a: {  	(tm) =	ssettm $0x7FFFFFFF  }
0x3b: {  	_ =	shalt  }
tec
execute0_lowered:
.L_overlay_start_1:
0x0: {  	(tag) =	ssettag $0x1  }
0x1: {  	s0 =	srdreg.scid;
	s2 =	rddreg [dreg:$0x0]  }
0x2: {  	s5 =	rddreg [dreg:$0x1];
	s1 =	stileid.u32  }
0x3: {  	s4 =	simm.s32 $0x1;
	s6 =	simm.s32 $0x2;
	s15 =	simm.s32 $0x0  }
0x4: {  	p0 =	por $0x0, $0x0;
	s8 =	simm.s32 $0x80;
	s0 =	sshll.u32 s0, $0x4  }
0x5: {  	s14 =	simm.s32 $0x0;
	s9 =	simm.s32 $0x0;
	s3 =	sand.u32 $0x10, s0  }
.Ltmp0:
0x6: {  	s10 =	simm.s32 $0x0;
	s3 =	sor.u32 s1, s3;
	(pc) =	sbr.rel .LBB1_1-.Ltmp0, $4  }
0x7: {  	s0 =	rddreg [dreg:$0x2];
	_ =	strace $0x80000047;
	s3 =	sshll.u32 s3, $0x7  }
0x8: {  	s12 =	simm.s32 $0x0;
	[sflag:s4] =	ssyncpa.u1 $0x0;
	s7 =	ssub.s32 $0xF4200, s3  }
0x9: {  	s13 =	simm.s32 $0x0;
	[sflag:s6] =	ssyncpa.u1 $0x0;
	s6 =	sshrl.u32 s7, $0xC  }
0xa: {  	s5 =	sadd.s32 $0xE00, s5;
	s11 =	smov.u32 s3;
	s7 =	sadd.s32 $0x2, s6  }
.LBB1_5:
0xb: {  	p1 =	slt.u32 s13, $0x2  }
0xc: {  	s17 =	smov.u32 s15;
	p2 =	sgt.s32 @!p1 s15, $0xF41C0;
	s16 =	sshra.s32 @!p1 s15, $0x1F  }
0xd: {  	p3 =	sgt.s32 @!p1 s14, $0x40;
	s18 =	sshra.s32 @!p1 s14, $0x1F;
	p2 =	por !p2, p1  }
0xe: {  	s15 =	sand.u32 @!p1 s16, s15;
	p3 =	por !p3, p1;
	s16 =	smov.u32 s14  }
0xf: {  	s14 =	sand.u32 @!p1 s18, s14;
	s17 =	simm.s32 @p2 $0xF41C0;
	s16 =	simm.s32 @p3 $0x40  }
0x10: {  	s15 =	ssub.s32 @!p1 s17, s15;
	s14 =	ssub.s32 @!p1 s16, s14  }
0x11: {  	s18 =	smov.u32 s12;
	s16 =	sadd.s32 @!p1 $0xFFF0BE40, s15;
	s17 =	sadd.s32 @!p1 $0xFFFFFFC0, s14  }
0x12: {  	s15 =	ssub.s32 @!p1 $0xF4240, s15;
	p2 =	sgt.s32 @!p1 s16, $0x7F;
	p3 =	sgt.s32 @!p1 s17, $0x3F  }
0x13: {  	s14 =	ssub.s32 @!p1 $0x80, s14;
	p2 =	por !p2, p1;
	p3 =	por !p3, p1  }
0x14: {  	s16 =	sadd.s32 $0x1000, s11;
	s15 =	simm.s32 @!p2 $0x0;
	s14 =	simm.s32 @!p3 $0x0  }
0x15: {  	p2 =	sgt.s32 s16, $0xF423F;
	s14 =	smul.u32 @!p1 s14, s15;
	s15 =	sadd.s32 $0x40, s12  }
0x16: {  	s18 =	smov.u32 @p2 s15  }
0x17: {  	s16 =	smov.u32 @p2 s3;
	p2 =	sgt.s32 s18, $0x3F  }
0x18: {  	s18 =	simm.s32 @p2 $0x0;
	p2 =	sne.s32 s13, s7  }
.Ltmp1:
0x19: {  	p0 =	por !p0, !p0;
	s17 =	simm.s32 @!p1 $0x2;
	(pc) =	sbr.rel @!p2 .LBB1_6-.Ltmp1, $4  }
0x1a: {  	s15 =	smov.u32 s9;
	s9 =	smov.u32 s11;
	s14 =	sand.u32 @!p1 $0x3FFFFFFF, s14  }
0x1b: {  	s11 =	smov.u32 s16;
	_ =	swait.ge @!p1 [sflag:s17], s14;
	s19 =	ssub.s32 @!p1 $0x0, s14  }
0x1c: {  	s14 =	smov.u32 s10;
	s13 =	sadd.s32 $0x1, s13;
	[sflag:s17] =	ssyncset.done @!p1 $0x0  }
0x1d: {  	s10 =	smov.u32 s12;
	s12 =	smov.u32 s18;
	[sflag:s17] =	ssyncadd.s32 @!p1 s19  }
.LBB1_1:
0x1e: {  	p1 =	sgt.u32 s13, s6  }
0x1f: {  	s16 =	sshrl.u32 @!p1 s12, $0x3  }
0x20: {  	s17 =	sshll.u32 @!p1 s11, $0x3;
	s16 =	smul.u32 @!p1 $0x7A1400, s16  }
0x21: {  	s18 =	sshll.u32 @!p1 s12, $0x7;
	s17 =	sand.u32 @!p1 $0xFFFFFC00, s17  }
0x22: {  	s16 =	sadd.s32 @!p1 s16, s17;
	s17 =	sand.u32 @!p1 $0x380, s18  }
0x23: {  	s18 =	sand.u32 @!p1 $0x7F, s11;
	s16 =	sor.u32 @!p1 s17, s16  }
0x24: {  	s17 =	sor.u32 @!p1 s18, s16  }
0x25: {  	s18 =	smulhi.u32 @!p1 $0x218D6287, s17;
	_ =	sdelay $0x1  }
0x26: {  	s16 =	smulhi.u32 @!p1 $0x218D6287, s16;
	s18 =	sshrl.u32 @!p1 s18, $0x11  }
0x27: {  	s18 =	smul.u32 @!p1 $0xF4280, s18  }
0x28: {  	s19 =	sxor.u32 @!p1 $0xFFFFFFFF, s13;
	s16 =	sshrl.u32 @!p1 s16, $0x11  }
0x29: {  	s19 =	sshll.u32 @!p1 s19, $0xD;
	s16 =	sand.u32 @!p1 $0x3F, s16;
	s17 =	ssub.s32 @!p1 s17, s18  }
0x2a: {  	s16 =	smul.u32 @!p1 $0x1E850, s16;
	s18 =	sshrl.u32 @!p1 s17, $0x3;
	s17 =	sand.u32 @!p1 $0x7, s17  }
0x2b: {  	s19 =	sand.u32 @!p1 $0x2000, s19;
	s18 =	sadd.s32 @!p1 s2, s18;
	s17 =	sshll.u32 @!p1 s17, $0x12  }
0x2c: {  	s16 =	sadd.s32 @!p1 s16, s18;
	s17 =	sor.u32 @!p1 $0x400, s17;
	s18 =	simm.s32 @!p1 $0x7A1400  }
0x2d: {  	[tilespmem:s19], [sflag:$0x1] =	stream.strided.gather @!p1 [hbm4b:s16+s17], $0x2000, s18, s17, $0x38;
	[tilespmem:$0x8100] =	vst v63  }
0x2e: {  	p1 =	seq.s32 s13, $0x0  }
0x2f: {  	p2 =	sge.u32 @!p1 s13, s7  }
0x30: {  	p1 =	por p1, p2  }
.Ltmp2:
0x31: {  	_ = 	snop;
	(pc) =	sbr.rel @p1 .LBB1_5-.Ltmp2, $1  }
0x32: {  	_ =	sdelay $0x3  }
0x33: {  	s16 =	simm.s32 $0x1  }
0x34: {  	_ =	swait.ge [sflag:s4], $0x2000;
	s16 =	simm.s32 @!p0 $0x0  }
0x35: {  	[sflag:s4] =	ssyncset.done $0x0;
	s17 =	sshll.u32 s16, $0xD  }
0x36: {  	[sflag:s4] =	ssyncadd.s32 $0xFFFFE000;
	s17 =	sor.u32 $0x40, s17  }
0x37: {  	s16 =	smul.u32 $0x8200, s16;
	v0 =	vld [tilespmem:s17+$0x30]  }
0x38: {  	v1 =	vld [tilespmem:s17+$0xFFFFFFD0]  }
0x39: {  	s16 =	sshrl.u32 s16, $0x2;
	v5 =	vld [tilespmem:s17+$0xFFFFFFE0]  }
0x3a: {  	v6 =	vld [tilespmem:s17+$0xFFFFFFF0];
	s19 =	sor.u32 $0x4000, s16  }
0x3b: {  	s31 =	sand.u32 $0x1, s13;
	v4 =	vld [tilespmem:s17+$0x0];
	s18 =	sadd.s32 $0x0, s19  }
0x3c: {  	v3 =	vld [tilespmem:s17+$0x10];
	s16 =	smul.u32 $0x8200, s31;
	[tilespmem:s18+$0x1C70 ss:$0x41] =	vst.msk $0xffff, v0  }
0x3d: {  	v2 =	vld [tilespmem:s17+$0x20];
	[tilespmem:s18+$0x410 ss:$0x41] =	vst.msk $0xffff, v1  }
0x3e: {  	s16 =	sshrl.u32 s16, $0x2;
	v1 =	vld [tilespmem:s17+$0xFFFFFFC0];
	[tilespmem:s18+$0x820 ss:$0x41] =	vst.msk $0xffff, v5;
	s17 =	sadd.s32 $0x80, s17  }
0x3f: {  	s20 =	simm.s32 $0x4;
	s21 =	simm.s32 $0x8;
	s16 =	sor.u32 $0x4000, s16;
	[tilespmem:s18+$0xC30 ss:$0x41] =	vst.msk $0xffff, v6;
	v0 =	vld [tilespmem:s17+$0x30]  }
.LBB1_3:
0x40: {  	p1 =	sne.s32 s21, $0xFC;
	v5 =	vld [tilespmem:s17+$0xFFFFFFD0];
	[tilespmem:s18+$0x1040 ss:$0x41] =	vst.msk $0xffff, v4  }
0x41: {  	v6 =	vld [tilespmem:s17+$0xFFFFFFE0];
	[tilespmem:s18+$0x1450 ss:$0x41] =	vst.msk $0xffff, v3  }
0x42: {  	s22 =	sshra.s32 s20, $0x2;
	s20 =	smov.u32 s21;
	v7 =	vld [tilespmem:s17+$0xFFFFFFF0];
	[tilespmem:s18+$0x1860 ss:$0x41] =	vst.msk $0xffff, v2  }
.Ltmp3:
0x43: {  	v4 =	vld [tilespmem:s17+$0x0];
	[tilespmem:s18+$0x0 ss:$0x41] =	vst.msk $0xffff, v1;
	s18 =	sadd.s32 s22, s19;
	(pc) =	sbr.rel @p1 .LBB1_3-.Ltmp3, $4  }
0x44: {  	v3 =	vld [tilespmem:s17+$0x10];
	[tilespmem:s18+$0x1C70 ss:$0x41] =	vst.msk $0xffff, v0  }
0x45: {  	[tilespmem:s18+$0x410 ss:$0x41] =	vst.msk $0xffff, v5;
	v2 =	vld [tilespmem:s17+$0x20]  }
0x46: {  	v1 =	vld [tilespmem:s17+$0xFFFFFFC0];
	[tilespmem:s18+$0x820 ss:$0x41] =	vst.msk $0xffff, v6;
	s17 =	sadd.s32 $0x80, s17  }
0x47: {  	s21 =	sadd.s32 $0x4, s21;
	v0 =	vld [tilespmem:s17+$0x30];
	[tilespmem:s18+$0xC30 ss:$0x41] =	vst.msk $0xffff, v7  }
0x48: {  	s21 =	sshll.u32 s9, $0x7;
	s22 =	sshll.u32 s10, $0x3;
	s20 =	sshra.s32 s20, $0x2  }
0x49: {  	p1 =	sgt.s32 s9, $0xF41C0;
	s30 =	sshra.s32 s9, $0x1F;
	s25 =	sshra.s32 s10, $0x1F  }
0x4a: {  	v5 =	vld [tilespmem:s17+$0xFFFFFFD0];
	s28 =	sshrl.u32 s10, $0x3;
	s23 =	sand.u32 $0xFFFFFC00, s21;
	s22 =	sand.u32 $0xFFFFFC00, s22  }
0x4b: {  	[tilespmem:s18+$0x1040 ss:$0x41] =	vst.msk $0xffff, v4;
	v58 =	vld [tilespmem:s17+$0xFFFFFFE0];
	s21 =	sand.u32 $0x380, s21;
	s19 =	sadd.s32 s20, s19;
	s22 =	sadd.s32 s22, s23  }
0x4c: {  	v59 =	vld [tilespmem:s17+$0xFFFFFFF0];
	[tilespmem:s18+$0x1450 ss:$0x41] =	vst.msk $0xffff, v3;
	s29 =	sor.u32 s21, s22;
	s21 =	smov.u32 s9;
	s22 =	sand.u32 s30, s9  }
0x4d: {  	v60 =	vld [tilespmem:s17+$0x0];
	[tilespmem:s18+$0x1860 ss:$0x41] =	vst.msk $0xffff, v2;
	s30 =	sand.u32 $0x7, s10;
	s20 =	sshrl.u32 s29, $0x7;
	s21 =	simm.s32 @!p1 $0xF41C0  }
0x4e: {  	v61 =	vld [tilespmem:s17+$0x10];
	[tilespmem:s18+$0x0 ss:$0x41] =	vst.msk $0xffff, v1;
	p1 =	sgt.s32 s10, $0x40;
	s24 =	ssub.s32 s21, s22;
	s21 =	smov.u32 s10  }
0x4f: {  	v62 =	vld [tilespmem:s17+$0x20];
	[tilespmem:s19+$0x1C70 ss:$0x41] =	vst.msk $0xffff, v0;
	s31 =	smulhi.u32 $0x218DEF5, s20;
	s22 =	sand.u32 s25, s10;
	s21 =	simm.s32 @!p1 $0x40  }
0x50: {  	v63 =	vld [tilespmem:s17+$0xFFFFFFC0];
	[tilespmem:s19+$0x410 ss:$0x41] =	vst.msk $0xffff, v5;
	s26 =	sadd.s32 $0xFFF0BE40, s24;
	s17 =	ssub.s32 $0xF4240, s24;
	s21 =	ssub.s32 s21, s22  }
0x51: {  	[tilespmem:s19+$0x820 ss:$0x41] =	vst.msk $0xffff, v58;
	s23 =	sshrl.u32 s31, $0xD;
	p1 =	sgt.s32 s26, $0x7F;
	s27 =	sadd.s32 $0xFFFFFFC0, s21  }
0x52: {  	[tilespmem:s19+$0xC30 ss:$0x41] =	vst.msk $0xffff, v59;
	s23 =	smul.u32 $0xF4240, s23;
	s18 =	ssub.s32 $0x80, s21;
	p2 =	sgt.s32 s27, $0x3F  }
.Ltmp4:
0x53: {  	[tilespmem:s19+$0x1040 ss:$0x41] =	vst.msk $0xffff, v60;
	s17 =	simm.s32 @p1 $0x0;
	s18 =	simm.s32 @p2 $0x0;
	(pc) =	sbr.rel .LBB1_5-.Ltmp4, $4  }
0x54: {  	s29 =	sand.u32 $0xF, s28;
	[tilespmem:s19+$0x1450 ss:$0x41] =	vst.msk $0xffff, v61;
	s20 =	ssub.s32 s20, s23;
	s17 =	smul.u32 s18, s17  }
0x55: {  	[tilespmem:s19+$0x1860 ss:$0x41] =	vst.msk $0xffff, v62;
	s21 =	sshll.u32 s30, $0x12;
	s20 =	sshll.u32 s20, $0x4;
	s18 =	sadd.s32 s5, s29  }
0x56: {  	[tilespmem:s19+$0x0 ss:$0x41] =	vst.msk $0xffff, v63;
	s31 =	sor.u32 $0x40, s21;
	s18 =	sadd.s32 s20, s18;
	s17 =	sand.u32 $0x3FFFFFFF, s17  }
0x57: {  	[hbm4b:s18+s31] =	stream.strided.scatter [tilespmem:s16], [sflag:$0x2], s17, s8, s31, $0x18;
	[tilespmem:$0x8100] =	vst v63  }
.LBB1_6:
0x58: {  	_ =	sfence.sel $0x180000  }
0x59: {  	s2 =	simm.s32 $0x1;
	[bflag:$0x0] =	sbarrier.arrive $0xFFFF  }
0x5a: {  	s31 =	simm.s32 $0x2;
	[sflag:s2] =	ssyncpa.u1 $0x1  }
0x5b: {  	[sflag:s31] =	ssyncpa.u1 $0x1  }
0x5c: {  	p0 =	sne.s32 s1, $0x0;
	_ =	strace $0x90000047  }
0x5d: {  	s0 =	sadd.s32 @!p0 $0x100000, s0;
	[bflag:$0x2] =	sbarrier.arrive $0xFFFF  }
0x5e: {  	[sflag:s0] =	ssyncadd.tile.s32 @!p0 $0x1;
	_ =	shalt  }
.Lfunc_end1:
_tile_overlayer_lowered:
.L_overlay_start_2:
0x5f: {  	(tag) =	ssettag $0x2  }
0x60: {  	s0 =	rddreg [dreg:$0x0];
	s2 =	stileid.u32  }
0x61: {  	s1 =	rddreg [dreg:$0x1];
	p0 =	sne.s32 s2, $0x0  }
0x62: {  	s3 =	rddreg [dreg:$0x2];
	[bflag:$0x3] =	sbarrier.arrive $0xFFFF;
	s2 =	simm.s32 @!p0 $0x1C01  }
0x63: {  	[timem:s3], [sflag:s2] =	dma.local @!p0 [hbm:s0], s1  }
0x64: {  	s0 =	simm.s32 @!p0 $0x1  }
0x65: {  	_ =	swait.ge @!p0 [sflag:s0], s1  }
0x66: {  	s1 =	ssub.s32 @!p0 $0x0, s1;
	[sflag:s0] =	ssyncset.done @!p0 $0x0  }
0x67: {  	[sflag:s0] =	ssyncadd.s32 @!p0 s1  }
0x68: {  	[bflag:$0x3] =	sbarrier.arrive $0xFFFF  }
0x69: {  	_ =	shalt  }

// kernel: sparse-core-data-format-call.cloned.1.call-start
scs
called_computation_lowered:
.L_overlay_start_0:
0x0: {  	s2 =	sld [smem:$0x3FD9]  }
0x1: {  	s3 =	sld [smem:$0x3FFE];
	_ =	sdelay $0x1  }
0x2: {  	s1 =	srdreg.scid  }
0x3: {  	s0 =	sand.u32 $0x1, s1  }
0x4: {  	s18 =	sshll.u32 s0, $0xA;
	s2 =	sadd.s32 s3, s2  }
0x5: {  	s2 =	sadd.s32 s2, s18  }
0x6: {  	[smem:$0x3FC6] =	sst s2  }
0x7: {  	_ = 	snop  }
0x8: {  	s2 =	sld [smem:$0x3FD0];
	(tm) =	ssettm $0x1  }
0x9: {  	s19 =	sld [smem:$0x3FFB];
	_ =	sdelay $0x3  }
0xa: {  	_ =	strace s19  }
0xb: {  	s3 =	sld [smem:$0x3FFC];
	_ =	sdelay $0x3  }
0xc: {  	_ =	strace s3  }
0xd: {  	s3 =	sld [smem:$0x3FFD];
	_ =	sdelay $0x3  }
0xe: {  	_ =	strace s3  }
0xf: {  	_ =	strace $0x8FFFFFFF  }
0x10: {  	s20 =	sld [smem:$0x3FDB];
	_ =	sdelay $0x1  }
0x11: {  	s4 =	simm.s32 $_scs_section_size  }
0x12: {  	s5 =	simm.s32 $_size__tile_overlayer_lowered;
	s6 =	simm.s32 $_tile_overlayer_lowered  }
0x13: {  	s23 =	simm.s32 $0x1BFF;
	s22 =	sshll.u32 s6, $0x1;
	s3 =	sadd.s32 s4, s20  }
0x14: {  	s7 =	simm.s32 $0x0;
	s21 =	sshll.u32 s5, $0x1;
	s5 =	sadd.s32 s22, s3  }
0x15: {  	[timem:s7], [sflag:s23] =	dma.local [hbm:s5], s21  }
0x16: {  	_ =	swait.ge [sflag:s23], s21  }
0x17: {  	s4 =	ssub.s32 $0x0, s21;
	[sflag:s23] =	ssyncset.done $0x0  }
0x18: {  	[sflag:s23] =	ssyncadd.s32 s4;
	_ =	sdelay $0x1  }
0x19: {  	s24 =	simm.s32 $0x1B8B  }
0x1a: {  	_ =	swait.ge [sflag:s24], $0x1  }
0x1b: {  	[sflag:s24] =	ssyncset.done $0x0  }
0x1c: {  	s26 =	simm.s32 $0x1B8E;
	s25 =	sld [smem:$0x3FFE];
	[sflag:s24] =	ssyncadd.s32 $0xFFFFFFFF  }
0x1d: {  	s27 =	simm.s32 $execute0_lowered;
	[smem:$0x3FD2] =	sst s26  }
0x1e: {  	s5 =	sshll.u32 s27, $0x1;
	_ =	strace $0x8000004C;
	[dreg:$0x1] =	wrdreg $0xFFFFFFFF  }
0x1f: {  	s28 =	simm.s32 $_size_execute0_lowered;
	s3 =	sadd.s32 s3, s5;
	[dreg:$0x0] =	wrdreg $0x0  }
0x20: {  	s5 =	sshll.u32 s28, $0x1;
	[dreg:$0x2] =	wrdreg s3  }
0x21: {  	[dreg:$0x3] =	wrdreg s5  }
0x22: {  	[dreg:$0x4] =	wrdreg $0xC0  }
0x23: {  	_ =	task [dreg:s7], $0x5FFFF  }
0x24: {  	[dreg:$0x1] =	wrdreg $0xFFFFFFFF  }
0x25: {  	[dreg:$0x0] =	wrdreg $0x60  }
0x26: {  	[dreg:$0x2] =	wrdreg s25  }
0x27: {  	[dreg:$0x3] =	wrdreg s2  }
0x28: {  	[dreg:$0x4] =	wrdreg $0x9  }
0x29: {  	_ =	task.clear_ibuf [dreg:s7], $0x5FFFF;
	_ =	strace $0x9000004C  }
0x2a: {  	s29 =	simm.s32 $0x9;
	_ =	strace $0x8000004E  }
0x2b: {  	_ =	swait.ge [sflag:s29], $0x1  }
0x2c: {  	[sflag:s29] =	ssyncadd.s32 $0xFFFFFFFF  }
0x2d: {  	_ =	strace $0x9000004E  }
0x2e: {  	_ =	sfence  }
0x2f: {  	s30 =	sld [smem:$0x0];
	_ =	sdelay $0x2  }
0x30: {  	s31 =	sshll.u32 s1, $0xD;
	s1 =	sshrl.u32 s1, $0x2  }
0x31: {  	s3 =	sand.u32 $0x4000, s31;
	s1 =	sadd.s32 s1, s30  }
0x32: {  	s0 =	sor.u32 s3, s0;
	s1 =	sshll.u32 s1, $0x11  }
0x33: {  	s0 =	sor.u32 s1, s0  }
0x34: {  	s0 =	sadd.s32 $0x8F2B, s0  }
0x35: {  	[sflag:s0] =	ssyncadd.remote.s32 $0x1  }
0x36: {  	_ =	sfence.sel $0xFFFF  }
0x37: {  	[dreg:$0x0] =	wrdreg $0xFFFFFFFF;
	(pc) =	sbr.abs _section_cstart, $3  }
0x38: {  	[dreg:$0x1] =	wrdreg $0xFFFFFFFF  }
0x39: {  	_ =	task.clear_ibuf [dreg:s7], $0x2FFFF;
	_ =	strace $0x9FFFFFFF  }
0x3a: {  	(tm) =	ssettm $0x7FFFFFFF  }
0x3b: {  	_ =	shalt  }
tec
execute0_lowered:
.L_overlay_start_1:
0x0: {  	(tag) =	ssettag $0x1  }
0x1: {  	s0 =	srdreg.scid  }
0x2: {  	s1 =	sshll.u32 s0, $0x4  }
0x3: {  	s0 =	stileid.u32;
	s1 =	sand.u32 $0x10, s1  }
0x4: {  	s7 =	rddreg [dreg:$0x0];
	s1 =	sor.u32 s0, s1  }
0x5: {  	s4 =	simm.s32 $0x1;
	s8 =	simm.s32 $0x2;
	s2 =	sshll.u32 s1, $0x7  }
0x6: {  	s13 =	simm.s32 $0x0;
	s9 =	simm.s32 $0x20000;
	s1 =	ssub.s32 $0x4000, s2  }
0x7: {  	s14 =	simm.s32 $0x0;
	s11 =	simm.s32 $0x0;
	s3 =	sand.u32 $0xF80, s1  }
0x8: {  	s12 =	simm.s32 $0x0;
	s5 =	sshrl.u32 s1, $0xC;
	p0 =	sne.s32 s3, $0x0  }
.Ltmp0:
0x9: {  	s1 =	rddreg [dreg:$0x2];
	s4 =	simm.s32 @!p0 $0x0;
	(pc) =	sbr.rel .LBB1_1-.Ltmp0, $4  }
0xa: {  	s6 =	sadd.s32 $0xE00, s7;
	s3 =	rddreg [dreg:$0x1];
	s5 =	sadd.s32 s4, s5  }
0xb: {  	_ =	strace $0x8000004D;
	s4 =	simm.s32 $0x1;
	s5 =	smul.u32 $0x19, s5  }
0xc: {  	s7 =	sadd.s32 $0x40E00, s7;
	s10 =	smov.u32 s2;
	[sflag:s4] =	ssyncpa.u1 $0x0  }
0xd: {  	p0 =	por $0x0, $0x0;
	[sflag:s8] =	ssyncpa.u1 $0x0;
	s8 =	sadd.s32 $0x1, s5  }
.LBB1_7:
0xe: {  	s15 =	sadd.s32 $0x1000, s10  }
0xf: {  	s13 =	sadd.s32 $0x2, s11;
	s17 =	smov.u32 s11;
	p2 =	sgt.s32 s15, $0x3FFF  }
0x10: {  	s17 =	smov.u32 @p2 s13  }
0x11: {  	s15 =	smov.u32 @p2 s2;
	p2 =	sgt.s32 s17, $0x31  }
0x12: {  	s17 =	simm.s32 @p2 $0x0;
	p2 =	sne.s32 s12, s8  }
.Ltmp1:
0x13: {  	p1 =	slt.u32 s12, $0x2;
	(pc) =	sbr.rel @!p2 .LBB1_8-.Ltmp1, $4  }
0x14: {  	s16 =	simm.s32 @!p1 $0x2  }
0x15: {  	s14 =	smov.u32 s11;
	p0 =	por !p0, !p0;
	_ =	swait.ge @!p1 [sflag:s16], $0x4000  }
0x16: {  	s13 =	smov.u32 s10;
	[sflag:s16] =	ssyncset.done @!p1 $0x0;
	s10 =	smov.u32 s15  }
0x17: {  	s12 =	sadd.s32 $0x1, s12;
	[sflag:s16] =	ssyncadd.s32 @!p1 $0xFFFFC000;
	s11 =	smov.u32 s17  }
.LBB1_1:
0x18: {  	p1 =	sge.u32 s12, s5  }
0x19: {  	s15 =	sxor.u32 @!p1 $0xFFFFFFFF, s12;
	s16 =	sshll.u32 @!p1 s11, $0x12  }
0x1a: {  	s17 =	sshll.u32 @!p1 s10, $0x4;
	s19 =	simm.s32 @!p1 $0x40;
	s20 =	simm.s32 @!p1 $0x80  }
0x1b: {  	s15 =	sshll.u32 @!p1 s15, $0xE;
	s17 =	sand.u32 @!p1 $0x3FFF0, s17;
	s18 =	sadd.s32 @!p1 s6, s16  }
0x1c: {  	s16 =	sadd.s32 @!p1 s16, s7;
	s15 =	sand.u32 @!p1 $0x4000, s15;
	s18 =	sadd.s32 @!p1 s17, s18  }
0x1d: {  	[tilespmem:s15], [sflag:$0x1] =	stream.strided.gather @!p1 [hbm4b:s18+s19], $0x2000, s20, s19, $0x38;
	[tilespmem:$0x10100] =	vst v63  }
0x1e: {  	s31 =	sadd.s32 $0xFFFFFFFF, s12;
	s16 =	sadd.s32 @!p1 s17, s16;
	s15 =	sor.u32 @!p1 $0x2000, s15  }
0x1f: {  	[tilespmem:s15], [sflag:$0x1] =	stream.strided.gather @!p1 [hbm4b:s16+s19], $0x2000, s20, s19, $0x38;
	[tilespmem:$0x10100] =	vst v63  }
0x20: {  	p1 =	sge.u32 s31, s5  }
.Ltmp2:
0x21: {  	_ = 	snop;
	(pc) =	sbr.rel @p1 .LBB1_7-.Ltmp2, $1  }
0x22: {  	_ =	sdelay $0x3  }
0x23: {  	s15 =	simm.s32 $0x1;
	s17 =	sand.u32 $0x1, s12  }
0x24: {  	_ =	swait.ge [sflag:s4], $0x4000;
	s15 =	simm.s32 @!p0 $0x0;
	s17 =	smul.u32 $0x10200, s17  }
0x25: {  	p2 =	por $0x1, $0x1;
	[sflag:s4] =	ssyncset.done $0x0;
	s16 =	smul.u32 $0x10200, s15  }
0x26: {  	s18 =	sshll.u32 s15, $0x10;
	[sflag:s4] =	ssyncadd.s32 $0xFFFFC000;
	s30 =	sshrl.u32 s17, $0x2  }
0x27: {  	s31 =	sshrl.u32 s18, $0x2;
	s18 =	simm.s32 $0x0;
	s16 =	sshrl.u32 s16, $0x2  }
0x28: {  	s15 =	sor.u32 $0x8000, s30;
	s17 =	sadd.s32 $0x20, s31;
	s16 =	sor.u32 $0x8000, s16  }
.LBB1_3:
0x29: {  	s19 =	sshll.u32 s18, $0xD  }
0x2a: {  	s19 =	sand.u32 $0x3FFFE000, s19  }
0x2b: {  	s21 =	sadd.s32 s19, s17  }
0x2c: {  	s31 =	smul.u32 $0x8100, s18;
	v3 =	vld [tilespmem:s21+$0x10]  }
0x2d: {  	v1 =	vld [tilespmem:s21+$0xFFFFFFF0]  }
0x2e: {  	s18 =	sshra.s32 s31, $0x2;
	v0 =	vld [tilespmem:s21+$0x0]  }
0x2f: {  	s18 =	sadd.s32 s18, s16;
	v2 =	vld [tilespmem:s21+$0xFFFFFFE0]  }
0x30: {  	s19 =	sadd.s32 $0x0, s18  }
0x31: {  	p1 =	por p2, p2;
	s20 =	simm.s32 $0x4;
	s21 =	sadd.s32 $0x40, s21;
	[tilespmem:s19+$0x1830 ss:$0x81] =	vst.msk $0xffff, v3  }
.LBB1_4:
0x32: {  	v3 =	vld [tilespmem:s21+$0x10];
	p2 =	sne.s32 s20, $0x1FC;
	[tilespmem:s19+$0x810 ss:$0x81] =	vst.msk $0xffff, v1;
	s22 =	smov.u32 s20;
	s20 =	sadd.s32 $0x4, s20  }
.Ltmp3:
0x33: {  	v1 =	vld [tilespmem:s21+$0xFFFFFFF0];
	[tilespmem:s19+$0x1020 ss:$0x81] =	vst.msk $0xffff, v0;
	(pc) =	sbr.rel @p2 .LBB1_4-.Ltmp3, $4  }
0x34: {  	v0 =	vld [tilespmem:s21+$0x0];
	[tilespmem:s19+$0x0 ss:$0x81] =	vst.msk $0xffff, v2  }
0x35: {  	s19 =	sshra.s32 s22, $0x2;
	v2 =	vld [tilespmem:s21+$0xFFFFFFE0]  }
0x36: {  	s19 =	sadd.s32 s19, s18  }
0x37: {  	s21 =	sadd.s32 $0x40, s21;
	[tilespmem:s19+$0x1830 ss:$0x81] =	vst.msk $0xffff, v3  }
.Ltmp4:
0x38: {  	(pc) =	sbr.rel @p1 .LBB1_3-.Ltmp4, $4  }
0x39: {  	_ = 	snop  }
0x3a: {  	[tilespmem:s19+$0x810 ss:$0x81] =	vst.msk $0xffff, v1  }
0x3b: {  	[tilespmem:s19+$0x1020 ss:$0x81] =	vst.msk $0xffff, v0  }
0x3c: {  	s18 =	simm.s32 $0x1;
	p2 =	por $0x0, $0x0;
	[tilespmem:s19+$0x0 ss:$0x81] =	vst.msk $0xffff, v2  }
0x3d: {  	s16 =	sshll.u32 s13, $0x3;
	s17 =	sand.u32 $0x78, s13;
	s14 =	sshll.u32 s14, $0x11  }
.Ltmp5:
0x3e: {  	s30 =	sand.u32 $0x1F800, s13;
	s16 =	sand.u32 $0x3C00, s16;
	(pc) =	sbr.rel .LBB1_7-.Ltmp5, $4  }
0x3f: {  	s31 =	sand.u32 $0x7, s13;
	s14 =	sadd.s32 s3, s14;
	s16 =	sor.u32 s17, s16  }
0x40: {  	s13 =	sshll.u32 s31, $0x12;
	s14 =	sadd.s32 s30, s14;
	s16 =	sshrl.u32 s16, $0x3  }
0x41: {  	s13 =	sor.u32 $0x400, s13;
	s14 =	sadd.s32 s16, s14  }
0x42: {  	[hbm4b:s14+s13] =	stream.strided.scatter [tilespmem:s15], [sflag:$0x2], $0x4000, s9, s13, $0x20;
	[tilespmem:$0x10100] =	vst v63  }
.LBB1_8:
0x43: {  	_ =	sfence.sel $0x180000  }
0x44: {  	s2 =	simm.s32 $0x1;
	[bflag:$0x0] =	sbarrier.arrive $0xFFFF  }
0x45: {  	s31 =	simm.s32 $0x2;
	[sflag:s2] =	ssyncpa.u1 $0x1  }
0x46: {  	[sflag:s31] =	ssyncpa.u1 $0x1  }
0x47: {  	p0 =	sne.s32 s0, $0x0;
	_ =	strace $0x9000004D  }
0x48: {  	s0 =	sadd.s32 @!p0 $0x100000, s1;
	[bflag:$0x2] =	sbarrier.arrive $0xFFFF  }
0x49: {  	[sflag:s0] =	ssyncadd.tile.s32 @!p0 $0x1;
	_ =	shalt  }
.Lfunc_end1:
_tile_overlayer_lowered:
.L_overlay_start_2:
0x4a: {  	(tag) =	ssettag $0x2  }
0x4b: {  	s0 =	rddreg [dreg:$0x0];
	s2 =	stileid.u32  }
0x4c: {  	s1 =	rddreg [dreg:$0x1];
	p0 =	sne.s32 s2, $0x0  }
0x4d: {  	s3 =	rddreg [dreg:$0x2];
	[bflag:$0x3] =	sbarrier.arrive $0xFFFF;
	s2 =	simm.s32 @!p0 $0x1C01  }
0x4e: {  	[timem:s3], [sflag:s2] =	dma.local @!p0 [hbm:s0], s1  }
0x4f: {  	s0 =	simm.s32 @!p0 $0x1  }
0x50: {  	_ =	swait.ge @!p0 [sflag:s0], s1  }
0x51: {  	s1 =	ssub.s32 @!p0 $0x0, s1;
	[sflag:s0] =	ssyncset.done @!p0 $0x0  }
0x52: {  	[sflag:s0] =	ssyncadd.s32 @!p0 s1  }
0x53: {  	[bflag:$0x3] =	sbarrier.arrive $0xFFFF  }
0x54: {  	_ =	shalt  }

</sc_bundles>
